<compile_context>
chip_gen: v7x
topology: tpu7x:2x2x1
jax: 0.10.2.dev20260603
libtpu: 0.0.44.dev20260713+nightly
codegen_flags: <defaults>
</compile_context>

<pallas_src>
import functools

import jax
import jax.numpy as jnp
from jax import lax
from jax.experimental import pallas as pl
from jax.experimental.pallas import tpu as pltpu
from jax.experimental.pallas import tpu_sc as plsc

N = 10000
E = 320000
D = 128

NC = 2
NS = 16
NW = NC * NS
K = 128
NBLK = 2560
EPAD = NBLK * K
BPT = NBLK // NW
NPAD = NS * 640
RPT = NPAD // NS


def _sc_body(x_hbm, src_hbm, dst_hbm, acc_out, cnt_out,
             sidx0, sidx1, didx0, didx1, rows_v, ones_v, zcnt_v,
             acc_sh, cnt_sh, isem0, isem1, gsem0, gsem1):
    c = lax.axis_index("c")
    s = lax.axis_index("s")
    w = s * NC + c

    zeros16 = jnp.zeros((16,), jnp.float32)
    ones16 = jnp.ones((16,), jnp.float32)

    def _fill(r, carry):
        for j in range(D // 16):
            rows_v[0, r, pl.ds(j * 16, 16)] = zeros16
        return carry

    lax.fori_loop(0, K, _fill, 0)

    def _fill1(r, carry):
        ones_v[pl.ds(r * 16, 16)] = ones16
        return carry

    lax.fori_loop(0, K // 16, _fill1, 0)

    def _fillz(r, carry):
        zcnt_v[pl.ds(r * 16, 16)] = zeros16
        return carry

    lax.fori_loop(0, RPT // 16, _fillz, 0)

    rbase = pl.multiple_of(s * RPT, 8)
    for t in range(RPT // K):
        pltpu.sync_copy(rows_v.at[0], acc_sh.at[pl.ds(rbase + t * K, K), :])
    pltpu.sync_copy(zcnt_v, cnt_sh.at[pl.ds(rbase, RPT)])
    plsc.subcore_barrier()

    sidxs = (sidx0, sidx1)
    didxs = (didx0, didx1)
    isems = (isem0, isem1)
    gsems = (gsem0, gsem1)

    def _load_idx(i, b):
        blk = i * NW + w
        pltpu.async_copy(src_hbm.at[blk], sidxs[b], isems[b])
        pltpu.async_copy(dst_hbm.at[blk], didxs[b], isems[b])

    def _wait_idx(b):
        pltpu.make_async_copy(src_hbm.at[0], sidxs[b], isems[b]).wait()
        pltpu.make_async_copy(dst_hbm.at[0], didxs[b], isems[b]).wait()

    _load_idx(0, 0)
    _load_idx(1, 1)
    _wait_idx(0)
    pltpu.async_copy(x_hbm.at[sidx0], rows_v.at[0], gsem0)

    def _chunk(j, carry):
        for b in range(2):
            i = 2 * j + b
            nb = 1 - b

            @pl.when(i + 1 < BPT)
            def _():
                _wait_idx(nb)
                pltpu.async_copy(x_hbm.at[sidxs[nb]], rows_v.at[nb],
                                 gsems[nb])

            pltpu.make_async_copy(
                x_hbm.at[sidxs[b]], rows_v.at[b], gsems[b]).wait()
            pltpu.sync_copy(rows_v.at[b], acc_sh.at[didxs[b]], add=True)
            pltpu.sync_copy(ones_v, cnt_sh.at[didxs[b]], add=True)

            @pl.when(i + 2 < BPT)
            def _():
                _load_idx(i + 2, b)
        return carry

    lax.fori_loop(0, BPT // 2, _chunk, 0)

    plsc.subcore_barrier()

    pltpu.sync_copy(acc_sh.at[pl.ds(rbase, RPT)],
                    acc_out.at[c, pl.ds(rbase, RPT), :])
    pltpu.sync_copy(cnt_sh.at[pl.ds(rbase, RPT)],
                    cnt_out.at[c, pl.ds(rbase, RPT)])


_sc_scatter = functools.partial(
    pl.kernel,
    mesh=plsc.VectorSubcoreMesh(core_axis_name="c", subcore_axis_name="s"),
    out_type=[
        jax.ShapeDtypeStruct((NC, NPAD, D), jnp.float32),
        jax.ShapeDtypeStruct((NC, NPAD), jnp.float32),
    ],
    scratch_types=[
        pltpu.VMEM((K,), jnp.int32),
        pltpu.VMEM((K,), jnp.int32),
        pltpu.VMEM((K,), jnp.int32),
        pltpu.VMEM((K,), jnp.int32),
        pltpu.VMEM((2, K, D), jnp.float32),
        pltpu.VMEM((K,), jnp.float32),
        pltpu.VMEM((RPT,), jnp.float32),
        pltpu.VMEM_SHARED((NPAD, D), jnp.float32),
        pltpu.VMEM_SHARED((NPAD,), jnp.float32),
        pltpu.SemaphoreType.DMA,
        pltpu.SemaphoreType.DMA,
        pltpu.SemaphoreType.DMA,
        pltpu.SemaphoreType.DMA,
    ],
)(_sc_body)


BLK = 512


def _tc_body(x_ref, p_ref, c_ref, wl_ref, wr_ref, b_ref, o_ref):
    x = x_ref[...]
    p = p_ref[0] + p_ref[1]
    cnt = c_ref[0] + c_ref[1]
    mean = p / jnp.maximum(cnt, 1.0)[:, None]
    y = (jnp.dot(mean, wl_ref[...], preferred_element_type=jnp.float32)
         + jnp.dot(x, wr_ref[...], preferred_element_type=jnp.float32)
         + b_ref[...])
    o_ref[...] = x + y


def _tc_finish(x, acc, cnt, wl_t, wr_t, b_row):
    return pl.pallas_call(
        _tc_body,
        grid=(pl.cdiv(N, BLK),),
        in_specs=[
            pl.BlockSpec((BLK, D), lambda i: (i, 0)),
            pl.BlockSpec((NC, BLK, D), lambda i: (0, i, 0)),
            pl.BlockSpec((NC, BLK), lambda i: (0, i)),
            pl.BlockSpec((D, D), lambda i: (0, 0)),
            pl.BlockSpec((D, D), lambda i: (0, 0)),
            pl.BlockSpec((1, D), lambda i: (0, 0)),
        ],
        out_specs=pl.BlockSpec((BLK, D), lambda i: (i, 0)),
        out_shape=jax.ShapeDtypeStruct((N, D), jnp.float32),
    )(x, acc, cnt, wl_t, wr_t, b_row)


def kernel(x, edge_index, W_l, b_l, W_r):
    x = x.astype(jnp.float32)
    ei = edge_index.astype(jnp.int32)
    npad_e = EPAD - E
    pad_iota = jnp.arange(npad_e, dtype=jnp.int32)
    src = jnp.concatenate(
        [ei[0], pad_iota % N]).reshape(NBLK, K)
    dst = jnp.concatenate(
        [ei[1], N + pad_iota % (NPAD - N)]).reshape(NBLK, K)
    acc, cnt = _sc_scatter(x, src, dst)
    return _tc_finish(x, acc, cnt, W_l.T, W_r.T, b_l.reshape(1, D))

# --- scband reference (transcript-rebuilt; emitter-appended) ---
"""Pipeline reference for scband-sagegnn-6691559047585 (READ-ONLY COPY).

The authoritative reference and input builder live on the scoring server;
editing this copy changes nothing except your own understanding.
"""

import jax, jax.numpy as jnp
import numpy as np

N_NODES = 10000
N_EDGES = 320000
D_IN = 128
D_OUT = 128


def setup_inputs(seed: int = 0) -> dict:
    key = jax.random.key(seed)
    k_x, k_e, k_wl, k_bl, k_wr = jax.random.split(key, 5)
    x = jax.random.normal(k_x, (N_NODES, D_IN), dtype=jnp.float32)
    edge_index = jax.random.randint(k_e, (2, N_EDGES), 0, N_NODES, dtype=jnp.int64)
    # SAGEConv params: lin_l (neighbor transform, with bias), lin_r (root transform, no bias)
    glorot = (6.0 / (D_IN + D_OUT)) ** 0.5
    W_l = jax.random.uniform(k_wl, (D_OUT, D_IN), dtype=jnp.float32, minval=-glorot, maxval=glorot)
    b_l = jnp.zeros((D_OUT,), dtype=jnp.float32)
    W_r = jax.random.uniform(k_wr, (D_OUT, D_IN), dtype=jnp.float32, minval=-glorot, maxval=glorot)
    return {"x": x, "edge_index": edge_index, "W_l": W_l, "b_l": b_l, "W_r": W_r}


def reference(x, edge_index, W_l, b_l, W_r):
    # SAGEGNN.forward: x = x.float(); y = SAGEConv(x, edge_index); return x + y
    x = x.astype(jnp.float32)
    n = x.shape[0]
    src = edge_index[0]
    dst = edge_index[1]
    # message: gather source node features
    msgs = jnp.take(x, src, axis=0)
    # aggregate: mean over incoming edges at destination
    summed = jax.ops.segment_sum(msgs, dst, num_segments=n)
    counts = jax.ops.segment_sum(jnp.ones((msgs.shape[0],), dtype=jnp.float32), dst, num_segments=n)
    mean_agg = summed / jnp.clip(counts, 1.0, None)[:, None]
    # update: lin_l(aggregated) + lin_r(x)
    y = mean_agg @ W_l.T + b_l + x @ W_r.T
    return x + y

if __name__ == "__main__":
    import jax
    _d = setup_inputs()
    print(jax.jit(kernel)(*tuple(_d.values())))

</pallas_src>

<mosaic_0001>
#map = affine_map<(d0, d1) -> (0, 0)>
#map1 = affine_map<(d0, d1) -> (0, 0, 0)>
module attributes {stable_mosaic.version = 14 : i64} {
  func.func @_sc_body(%arg0: i32, %arg1: i32, %arg2: memref<10000x128xf32, #tpu.memory_space<hbm>>, %arg3: memref<2560x128xi32, #tpu.memory_space<hbm>>, %arg4: memref<2560x128xi32, #tpu.memory_space<hbm>>, %arg5: memref<2x10240x128xf32, #tpu.memory_space<hbm>>, %arg6: memref<2x10240xf32, #tpu.memory_space<hbm>>, %arg7: memref<128xi32, #tpu.memory_space<vmem>>, %arg8: memref<128xi32, #tpu.memory_space<vmem>>, %arg9: memref<128xi32, #tpu.memory_space<vmem>>, %arg10: memref<128xi32, #tpu.memory_space<vmem>>, %arg11: memref<2x128x128xf32, #tpu.memory_space<vmem>>, %arg12: memref<128xf32, #tpu.memory_space<vmem>>, %arg13: memref<640xf32, #tpu.memory_space<vmem>>, %arg14: memref<10240x128xf32, #tpu.memory_space<vmem_shared>>, %arg15: memref<10240xf32, #tpu.memory_space<vmem_shared>>, %arg16: memref<!tpu.dma_semaphore, #tpu.memory_space<semaphore_mem>>, %arg17: memref<!tpu.dma_semaphore, #tpu.memory_space<semaphore_mem>>, %arg18: memref<!tpu.dma_semaphore, #tpu.memory_space<semaphore_mem>>, %arg19: memref<!tpu.dma_semaphore, #tpu.memory_space<semaphore_mem>>) attributes {dimension_semantics = [#tpu.dimension_semantics<core_parallel>, #tpu.dimension_semantics<subcore_parallel>], iteration_bounds = array<i64: 2, 16>, scalar_prefetch = 0 : i64, scratch_operands = 13 : i64, tpu.core_type = #tpu.core_type<sc_vector_subcore>, window_params = [{transform_indices = #map}, {transform_indices = #map}, {transform_indices = #map}, {transform_indices = #map1}, {transform_indices = #map}]} {
    %mul3A = arith.constant 2 : i32
    %mul3A_0 = arith.muli %arg1, %mul3A : i32
    %add3A = arith.addi %mul3A_0, %arg0 : i32
    %broadcast_in_dim3A = arith.constant 0.000000e+00 : f32
    %broadcast_in_dim3A_1 = vector.broadcast %broadcast_in_dim3A : f32 to vector<16xf32>
    %broadcast_in_dim3A_2 = arith.constant 1.000000e+00 : f32
    %broadcast_in_dim3A_3 = vector.broadcast %broadcast_in_dim3A_2 : f32 to vector<16xf32>
    %scan3A = arith.constant 0 : i32
    %scan3A_4 = arith.constant 0 : i32
    %scan3A_5 = arith.constant 128 : i32
    %scan3A_6 = arith.addi %scan3A_4, %scan3A_5 : i32
    %scan3A_7 = arith.constant 1 : i32
    scf.for %scan3A_92 = %scan3A_4 to %scan3A_6 step %scan3A_7  : i32 {
      %swap3A = arith.constant 0 : i32
      %swap3A_93 = arith.index_cast %swap3A : i32 to index
      %swap3A_94 = arith.index_cast %scan3A_92 : i32 to index
      %swap3A_95 = arith.constant 0 : index
      %swap3A_96 = tpu.vector_load %arg11[%swap3A_93, %swap3A_94, %swap3A_95] {strides = array<i32>} : memref<2x128x128xf32, #tpu.memory_space<vmem>>, vector<1x1x16xf32>,
      %swap3A_97 = vector.shape_cast %swap3A_96 : vector<1x1x16xf32> to vector<16xf32>
      %swap3A_98 = vector.shape_cast %broadcast_in_dim3A_1 : vector<16xf32> to vector<1x1x16xf32>
      tpu.vector_store %arg11[%swap3A_93, %swap3A_94, %swap3A_95], %swap3A_98 {strides = array<i32>} : memref<2x128x128xf32, #tpu.memory_space<vmem>>, vector<1x1x16xf32>,
      %swap3A_99 = arith.constant 0 : i32
      %swap3A_100 = arith.index_cast %swap3A_99 : i32 to index
      %swap3A_101 = arith.index_cast %scan3A_92 : i32 to index
      %swap3A_102 = arith.constant 16 : index
      %swap3A_103 = tpu.vector_load %arg11[%swap3A_100, %swap3A_101, %swap3A_102] {strides = array<i32>} : memref<2x128x128xf32, #tpu.memory_space<vmem>>, vector<1x1x16xf32>,
      %swap3A_104 = vector.shape_cast %swap3A_103 : vector<1x1x16xf32> to vector<16xf32>
      %swap3A_105 = vector.shape_cast %broadcast_in_dim3A_1 : vector<16xf32> to vector<1x1x16xf32>
      tpu.vector_store %arg11[%swap3A_100, %swap3A_101, %swap3A_102], %swap3A_105 {strides = array<i32>} : memref<2x128x128xf32, #tpu.memory_space<vmem>>, vector<1x1x16xf32>,
      %swap3A_106 = arith.constant 0 : i32
      %swap3A_107 = arith.index_cast %swap3A_106 : i32 to index
      %swap3A_108 = arith.index_cast %scan3A_92 : i32 to index
      %swap3A_109 = arith.constant 32 : index
      %swap3A_110 = tpu.vector_load %arg11[%swap3A_107, %swap3A_108, %swap3A_109] {strides = array<i32>} : memref<2x128x128xf32, #tpu.memory_space<vmem>>, vector<1x1x16xf32>,
      %swap3A_111 = vector.shape_cast %swap3A_110 : vector<1x1x16xf32> to vector<16xf32>
      %swap3A_112 = vector.shape_cast %broadcast_in_dim3A_1 : vector<16xf32> to vector<1x1x16xf32>
      tpu.vector_store %arg11[%swap3A_107, %swap3A_108, %swap3A_109], %swap3A_112 {strides = array<i32>} : memref<2x128x128xf32, #tpu.memory_space<vmem>>, vector<1x1x16xf32>,
      %swap3A_113 = arith.constant 0 : i32
      %swap3A_114 = arith.index_cast %swap3A_113 : i32 to index
      %swap3A_115 = arith.index_cast %scan3A_92 : i32 to index
      %swap3A_116 = arith.constant 48 : index
      %swap3A_117 = tpu.vector_load %arg11[%swap3A_114, %swap3A_115, %swap3A_116] {strides = array<i32>} : memref<2x128x128xf32, #tpu.memory_space<vmem>>, vector<1x1x16xf32>,
      %swap3A_118 = vector.shape_cast %swap3A_117 : vector<1x1x16xf32> to vector<16xf32>
      %swap3A_119 = vector.shape_cast %broadcast_in_dim3A_1 : vector<16xf32> to vector<1x1x16xf32>
      tpu.vector_store %arg11[%swap3A_114, %swap3A_115, %swap3A_116], %swap3A_119 {strides = array<i32>} : memref<2x128x128xf32, #tpu.memory_space<vmem>>, vector<1x1x16xf32>,
      %swap3A_120 = arith.constant 0 : i32
      %swap3A_121 = arith.index_cast %swap3A_120 : i32 to index
      %swap3A_122 = arith.index_cast %scan3A_92 : i32 to index
      %swap3A_123 = arith.constant 64 : index
      %swap3A_124 = tpu.vector_load %arg11[%swap3A_121, %swap3A_122, %swap3A_123] {strides = array<i32>} : memref<2x128x128xf32, #tpu.memory_space<vmem>>, vector<1x1x16xf32>,
      %swap3A_125 = vector.shape_cast %swap3A_124 : vector<1x1x16xf32> to vector<16xf32>
      %swap3A_126 = vector.shape_cast %broadcast_in_dim3A_1 : vector<16xf32> to vector<1x1x16xf32>
      tpu.vector_store %arg11[%swap3A_121, %swap3A_122, %swap3A_123], %swap3A_126 {strides = array<i32>} : memref<2x128x128xf32, #tpu.memory_space<vmem>>, vector<1x1x16xf32>,
      %swap3A_127 = arith.constant 0 : i32
      %swap3A_128 = arith.index_cast %swap3A_127 : i32 to index
      %swap3A_129 = arith.index_cast %scan3A_92 : i32 to index
      %swap3A_130 = arith.constant 80 : index
      %swap3A_131 = tpu.vector_load %arg11[%swap3A_128, %swap3A_129, %swap3A_130] {strides = array<i32>} : memref<2x128x128xf32, #tpu.memory_space<vmem>>, vector<1x1x16xf32>,
      %swap3A_132 = vector.shape_cast %swap3A_131 : vector<1x1x16xf32> to vector<16xf32>
      %swap3A_133 = vector.shape_cast %broadcast_in_dim3A_1 : vector<16xf32> to vector<1x1x16xf32>
      tpu.vector_store %arg11[%swap3A_128, %swap3A_129, %swap3A_130], %swap3A_133 {strides = array<i32>} : memref<2x128x128xf32, #tpu.memory_space<vmem>>, vector<1x1x16xf32>,
      %swap3A_134 = arith.constant 0 : i32
      %swap3A_135 = arith.index_cast %swap3A_134 : i32 to index
      %swap3A_136 = arith.index_cast %scan3A_92 : i32 to index
      %swap3A_137 = arith.constant 96 : index
      %swap3A_138 = tpu.vector_load %arg11[%swap3A_135, %swap3A_136, %swap3A_137] {strides = array<i32>} : memref<2x128x128xf32, #tpu.memory_space<vmem>>, vector<1x1x16xf32>,
      %swap3A_139 = vector.shape_cast %swap3A_138 : vector<1x1x16xf32> to vector<16xf32>
      %swap3A_140 = vector.shape_cast %broadcast_in_dim3A_1 : vector<16xf32> to vector<1x1x16xf32>
      tpu.vector_store %arg11[%swap3A_135, %swap3A_136, %swap3A_137], %swap3A_140 {strides = array<i32>} : memref<2x128x128xf32, #tpu.memory_space<vmem>>, vector<1x1x16xf32>,
      %swap3A_141 = arith.constant 0 : i32
      %swap3A_142 = arith.index_cast %swap3A_141 : i32 to index
      %swap3A_143 = arith.index_cast %scan3A_92 : i32 to index
      %swap3A_144 = arith.constant 112 : index
      %swap3A_145 = tpu.vector_load %arg11[%swap3A_142, %swap3A_143, %swap3A_144] {strides = array<i32>} : memref<2x128x128xf32, #tpu.memory_space<vmem>>, vector<1x1x16xf32>,
      %swap3A_146 = vector.shape_cast %swap3A_145 : vector<1x1x16xf32> to vector<16xf32>
      %swap3A_147 = vector.shape_cast %broadcast_in_dim3A_1 : vector<16xf32> to vector<1x1x16xf32>
      tpu.vector_store %arg11[%swap3A_142, %swap3A_143, %swap3A_144], %swap3A_147 {strides = array<i32>} : memref<2x128x128xf32, #tpu.memory_space<vmem>>, vector<1x1x16xf32>,
    }
    %scan3A_8 = arith.constant 128 : i32
    %scan3A_9 = arith.constant 0 : i32
    %scan3A_10 = arith.constant 0 : i32
    %scan3A_11 = arith.constant 8 : i32
    %scan3A_12 = arith.addi %scan3A_10, %scan3A_11 : i32
    %scan3A_13 = arith.constant 1 : i32
    scf.for %scan3A_92 = %scan3A_10 to %scan3A_12 step %scan3A_13  : i32 {
      %mul3A_93 = arith.constant 16 : i32
      %mul3A_94 = arith.muli %scan3A_92, %mul3A_93 : i32
      %swap3A = arith.index_cast %mul3A_94 : i32 to index
      %swap3A_95 = tpu.vector_load %arg12[%swap3A] {strides = array<i32>} : memref<128xf32, #tpu.memory_space<vmem>>, vector<16xf32>,
      %swap3A_96 = vector.shape_cast %swap3A_95 : vector<16xf32> to vector<16xf32>
      %swap3A_97 = vector.shape_cast %broadcast_in_dim3A_3 : vector<16xf32> to vector<16xf32>
      tpu.vector_store %arg12[%swap3A], %swap3A_97 {strides = array<i32>} : memref<128xf32, #tpu.memory_space<vmem>>, vector<16xf32>,
    }
    %scan3A_14 = arith.constant 8 : i32
    %scan3A_15 = arith.constant 0 : i32
    %scan3A_16 = arith.constant 0 : i32
    %scan3A_17 = arith.constant 40 : i32
    %scan3A_18 = arith.addi %scan3A_16, %scan3A_17 : i32
    %scan3A_19 = arith.constant 1 : i32
    scf.for %scan3A_92 = %scan3A_16 to %scan3A_18 step %scan3A_19  : i32 {
      %mul3A_93 = arith.constant 16 : i32
      %mul3A_94 = arith.muli %scan3A_92, %mul3A_93 : i32
      %swap3A = arith.index_cast %mul3A_94 : i32 to index
      %swap3A_95 = tpu.vector_load %arg13[%swap3A] {strides = array<i32>} : memref<640xf32, #tpu.memory_space<vmem>>, vector<16xf32>,
      %swap3A_96 = vector.shape_cast %swap3A_95 : vector<16xf32> to vector<16xf32>
      %swap3A_97 = vector.shape_cast %broadcast_in_dim3A_1 : vector<16xf32> to vector<16xf32>
      tpu.vector_store %arg13[%swap3A], %swap3A_97 {strides = array<i32>} : memref<640xf32, #tpu.memory_space<vmem>>, vector<16xf32>,
    }
    %scan3A_20 = arith.constant 40 : i32
    %mul3A_21 = arith.constant 640 : i32
    %mul3A_22 = arith.muli %arg1, %mul3A_21 : i32
    %multiple_of3A = tpu.assume_multiple %mul3A_22, 8 : i32
    %add3A_23 = arith.constant 0 : i32
    %add3A_24 = arith.addi %multiple_of3A, %add3A_23 : i32
    %run_scoped3A = arith.constant 0 : i32
    "tpu.region"() ({
      %run_scoped3A_92 = tpu.sem_alloc : memref<!tpu.dma_semaphore, #tpu.memory_space<semaphore_mem>>
      %dma_start3A_93 = arith.constant 0 : i32
      %dma_start3A_94 = arith.constant 0 : i32
      %dma_start3A_95 = tpu.memref_slice %arg11[%run_scoped3A, %dma_start3A_93, %dma_start3A_94] : memref<2x128x128xf32, #tpu.memory_space<vmem>> -> memref<1x128x128xf32, #tpu.memory_space<vmem>>
      %dma_start3A_96 = tpu.memref_squeeze %dma_start3A_95 : memref<1x128x128xf32, #tpu.memory_space<vmem>> -> memref<128x128xf32, #tpu.memory_space<vmem>>
      %dma_start3A_97 = arith.constant 0 : i32
      %dma_start3A_98 = tpu.memref_slice %arg14[%add3A_24, %dma_start3A_97] : memref<10240x128xf32, #tpu.memory_space<vmem_shared>> -> memref<128x128xf32, #tpu.memory_space<vmem_shared>>
      %dma_start3A_99 = arith.constant 0 : i32
      %dma_start3A_100 = tpu.memref_slice %arg14[%add3A_24, %dma_start3A_99] : memref<10240x128xf32, #tpu.memory_space<vmem_shared>> -> memref<128x128xf32, #tpu.memory_space<vmem_shared>>
      %dma_start3A_101 = arith.constant 0 : i32
      %dma_start3A_102 = arith.constant 0 : i32
      %dma_start3A_103 = tpu.memref_slice %arg11[%run_scoped3A, %dma_start3A_101, %dma_start3A_102] : memref<2x128x128xf32, #tpu.memory_space<vmem>> -> memref<1x128x128xf32, #tpu.memory_space<vmem>>
      %dma_start3A_104 = tpu.memref_squeeze %dma_start3A_103 : memref<1x128x128xf32, #tpu.memory_space<vmem>> -> memref<128x128xf32, #tpu.memory_space<vmem>>
      tpu.enqueue_dma source(%dma_start3A_104 : memref<128x128xf32, #tpu.memory_space<vmem>>) target(%dma_start3A_100 : memref<128x128xf32, #tpu.memory_space<vmem_shared>>) target_semaphore(%run_scoped3A_92 : memref<!tpu.dma_semaphore, #tpu.memory_space<semaphore_mem>>)
      %dma_wait3A_105 = arith.constant 0 : i32
      %dma_wait3A_106 = arith.constant 0 : i32
      %dma_wait3A_107 = tpu.memref_slice %arg11[%run_scoped3A, %dma_wait3A_105, %dma_wait3A_106] : memref<2x128x128xf32, #tpu.memory_space<vmem>> -> memref<1x128x128xf32, #tpu.memory_space<vmem>>
      %dma_wait3A_108 = tpu.memref_squeeze %dma_wait3A_107 : memref<1x128x128xf32, #tpu.memory_space<vmem>> -> memref<128x128xf32, #tpu.memory_space<vmem>>
      %dma_wait3A_109 = arith.constant 0 : i32
      %dma_wait3A_110 = tpu.memref_slice %arg14[%add3A_24, %dma_wait3A_109] : memref<10240x128xf32, #tpu.memory_space<vmem_shared>> -> memref<128x128xf32, #tpu.memory_space<vmem_shared>>
      %dma_wait3A_111 = arith.constant 0 : i32
      %dma_wait3A_112 = tpu.memref_slice %arg14[%add3A_24, %dma_wait3A_111] : memref<10240x128xf32, #tpu.memory_space<vmem_shared>> -> memref<128x128xf32, #tpu.memory_space<vmem_shared>>
      %dma_wait3A_113 = arith.constant 0 : i32
      %dma_wait3A_114 = arith.constant 0 : i32
      %dma_wait3A_115 = tpu.memref_slice %arg11[%run_scoped3A, %dma_wait3A_113, %dma_wait3A_114] : memref<2x128x128xf32, #tpu.memory_space<vmem>> -> memref<1x128x128xf32, #tpu.memory_space<vmem>>
      %dma_wait3A_116 = tpu.memref_squeeze %dma_wait3A_115 : memref<1x128x128xf32, #tpu.memory_space<vmem>> -> memref<128x128xf32, #tpu.memory_space<vmem>>
      tpu.wait_dma2 semaphore(%run_scoped3A_92 : memref<!tpu.dma_semaphore, #tpu.memory_space<semaphore_mem>>) src(%dma_wait3A_116 : memref<128x128xf32, #tpu.memory_space<vmem>>) dst(%dma_wait3A_112 : memref<128x128xf32, #tpu.memory_space<vmem_shared>>)
      tpu.yield
    }) : () -> ()
    %add3A_25 = arith.constant 128 : i32
    %add3A_26 = arith.addi %multiple_of3A, %add3A_25 : i32
    %run_scoped3A_27 = arith.constant 0 : i32
    "tpu.region"() ({
      %run_scoped3A_92 = tpu.sem_alloc : memref<!tpu.dma_semaphore, #tpu.memory_space<semaphore_mem>>
      %dma_start3A_93 = arith.constant 0 : i32
      %dma_start3A_94 = arith.constant 0 : i32
      %dma_start3A_95 = tpu.memref_slice %arg11[%run_scoped3A_27, %dma_start3A_93, %dma_start3A_94] : memref<2x128x128xf32, #tpu.memory_space<vmem>> -> memref<1x128x128xf32, #tpu.memory_space<vmem>>
      %dma_start3A_96 = tpu.memref_squeeze %dma_start3A_95 : memref<1x128x128xf32, #tpu.memory_space<vmem>> -> memref<128x128xf32, #tpu.memory_space<vmem>>
      %dma_start3A_97 = arith.constant 0 : i32
      %dma_start3A_98 = tpu.memref_slice %arg14[%add3A_26, %dma_start3A_97] : memref<10240x128xf32, #tpu.memory_space<vmem_shared>> -> memref<128x128xf32, #tpu.memory_space<vmem_shared>>
      %dma_start3A_99 = arith.constant 0 : i32
      %dma_start3A_100 = tpu.memref_slice %arg14[%add3A_26, %dma_start3A_99] : memref<10240x128xf32, #tpu.memory_space<vmem_shared>> -> memref<128x128xf32, #tpu.memory_space<vmem_shared>>
      %dma_start3A_101 = arith.constant 0 : i32
      %dma_start3A_102 = arith.constant 0 : i32
      %dma_start3A_103 = tpu.memref_slice %arg11[%run_scoped3A_27, %dma_start3A_101, %dma_start3A_102] : memref<2x128x128xf32, #tpu.memory_space<vmem>> -> memref<1x128x128xf32, #tpu.memory_space<vmem>>
      %dma_start3A_104 = tpu.memref_squeeze %dma_start3A_103 : memref<1x128x128xf32, #tpu.memory_space<vmem>> -> memref<128x128xf32, #tpu.memory_space<vmem>>
      tpu.enqueue_dma source(%dma_start3A_104 : memref<128x128xf32, #tpu.memory_space<vmem>>) target(%dma_start3A_100 : memref<128x128xf32, #tpu.memory_space<vmem_shared>>) target_semaphore(%run_scoped3A_92 : memref<!tpu.dma_semaphore, #tpu.memory_space<semaphore_mem>>)
      %dma_wait3A_105 = arith.constant 0 : i32
      %dma_wait3A_106 = arith.constant 0 : i32
      %dma_wait3A_107 = tpu.memref_slice %arg11[%run_scoped3A_27, %dma_wait3A_105, %dma_wait3A_106] : memref<2x128x128xf32, #tpu.memory_space<vmem>> -> memref<1x128x128xf32, #tpu.memory_space<vmem>>
      %dma_wait3A_108 = tpu.memref_squeeze %dma_wait3A_107 : memref<1x128x128xf32, #tpu.memory_space<vmem>> -> memref<128x128xf32, #tpu.memory_space<vmem>>
      %dma_wait3A_109 = arith.constant 0 : i32
      %dma_wait3A_110 = tpu.memref_slice %arg14[%add3A_26, %dma_wait3A_109] : memref<10240x128xf32, #tpu.memory_space<vmem_shared>> -> memref<128x128xf32, #tpu.memory_space<vmem_shared>>
      %dma_wait3A_111 = arith.constant 0 : i32
      %dma_wait3A_112 = tpu.memref_slice %arg14[%add3A_26, %dma_wait3A_111] : memref<10240x128xf32, #tpu.memory_space<vmem_shared>> -> memref<128x128xf32, #tpu.memory_space<vmem_shared>>
      %dma_wait3A_113 = arith.constant 0 : i32
      %dma_wait3A_114 = arith.constant 0 : i32
      %dma_wait3A_115 = tpu.memref_slice %arg11[%run_scoped3A_27, %dma_wait3A_113, %dma_wait3A_114] : memref<2x128x128xf32, #tpu.memory_space<vmem>> -> memref<1x128x128xf32, #tpu.memory_space<vmem>>
      %dma_wait3A_116 = tpu.memref_squeeze %dma_wait3A_115 : memref<1x128x128xf32, #tpu.memory_space<vmem>> -> memref<128x128xf32, #tpu.memory_space<vmem>>
      tpu.wait_dma2 semaphore(%run_scoped3A_92 : memref<!tpu.dma_semaphore, #tpu.memory_space<semaphore_mem>>) src(%dma_wait3A_116 : memref<128x128xf32, #tpu.memory_space<vmem>>) dst(%dma_wait3A_112 : memref<128x128xf32, #tpu.memory_space<vmem_shared>>)
      tpu.yield
    }) : () -> ()
    %add3A_28 = arith.constant 256 : i32
    %add3A_29 = arith.addi %multiple_of3A, %add3A_28 : i32
    %run_scoped3A_30 = arith.constant 0 : i32
    "tpu.region"() ({
      %run_scoped3A_92 = tpu.sem_alloc : memref<!tpu.dma_semaphore, #tpu.memory_space<semaphore_mem>>
      %dma_start3A_93 = arith.constant 0 : i32
      %dma_start3A_94 = arith.constant 0 : i32
      %dma_start3A_95 = tpu.memref_slice %arg11[%run_scoped3A_30, %dma_start3A_93, %dma_start3A_94] : memref<2x128x128xf32, #tpu.memory_space<vmem>> -> memref<1x128x128xf32, #tpu.memory_space<vmem>>
      %dma_start3A_96 = tpu.memref_squeeze %dma_start3A_95 : memref<1x128x128xf32, #tpu.memory_space<vmem>> -> memref<128x128xf32, #tpu.memory_space<vmem>>
      %dma_start3A_97 = arith.constant 0 : i32
      %dma_start3A_98 = tpu.memref_slice %arg14[%add3A_29, %dma_start3A_97] : memref<10240x128xf32, #tpu.memory_space<vmem_shared>> -> memref<128x128xf32, #tpu.memory_space<vmem_shared>>
      %dma_start3A_99 = arith.constant 0 : i32
      %dma_start3A_100 = tpu.memref_slice %arg14[%add3A_29, %dma_start3A_99] : memref<10240x128xf32, #tpu.memory_space<vmem_shared>> -> memref<128x128xf32, #tpu.memory_space<vmem_shared>>
      %dma_start3A_101 = arith.constant 0 : i32
      %dma_start3A_102 = arith.constant 0 : i32
      %dma_start3A_103 = tpu.memref_slice %arg11[%run_scoped3A_30, %dma_start3A_101, %dma_start3A_102] : memref<2x128x128xf32, #tpu.memory_space<vmem>> -> memref<1x128x128xf32, #tpu.memory_space<vmem>>
      %dma_start3A_104 = tpu.memref_squeeze %dma_start3A_103 : memref<1x128x128xf32, #tpu.memory_space<vmem>> -> memref<128x128xf32, #tpu.memory_space<vmem>>
      tpu.enqueue_dma source(%dma_start3A_104 : memref<128x128xf32, #tpu.memory_space<vmem>>) target(%dma_start3A_100 : memref<128x128xf32, #tpu.memory_space<vmem_shared>>) target_semaphore(%run_scoped3A_92 : memref<!tpu.dma_semaphore, #tpu.memory_space<semaphore_mem>>)
      %dma_wait3A_105 = arith.constant 0 : i32
      %dma_wait3A_106 = arith.constant 0 : i32
      %dma_wait3A_107 = tpu.memref_slice %arg11[%run_scoped3A_30, %dma_wait3A_105, %dma_wait3A_106] : memref<2x128x128xf32, #tpu.memory_space<vmem>> -> memref<1x128x128xf32, #tpu.memory_space<vmem>>
      %dma_wait3A_108 = tpu.memref_squeeze %dma_wait3A_107 : memref<1x128x128xf32, #tpu.memory_space<vmem>> -> memref<128x128xf32, #tpu.memory_space<vmem>>
      %dma_wait3A_109 = arith.constant 0 : i32
      %dma_wait3A_110 = tpu.memref_slice %arg14[%add3A_29, %dma_wait3A_109] : memref<10240x128xf32, #tpu.memory_space<vmem_shared>> -> memref<128x128xf32, #tpu.memory_space<vmem_shared>>
      %dma_wait3A_111 = arith.constant 0 : i32
      %dma_wait3A_112 = tpu.memref_slice %arg14[%add3A_29, %dma_wait3A_111] : memref<10240x128xf32, #tpu.memory_space<vmem_shared>> -> memref<128x128xf32, #tpu.memory_space<vmem_shared>>
      %dma_wait3A_113 = arith.constant 0 : i32
      %dma_wait3A_114 = arith.constant 0 : i32
      %dma_wait3A_115 = tpu.memref_slice %arg11[%run_scoped3A_30, %dma_wait3A_113, %dma_wait3A_114] : memref<2x128x128xf32, #tpu.memory_space<vmem>> -> memref<1x128x128xf32, #tpu.memory_space<vmem>>
      %dma_wait3A_116 = tpu.memref_squeeze %dma_wait3A_115 : memref<1x128x128xf32, #tpu.memory_space<vmem>> -> memref<128x128xf32, #tpu.memory_space<vmem>>
      tpu.wait_dma2 semaphore(%run_scoped3A_92 : memref<!tpu.dma_semaphore, #tpu.memory_space<semaphore_mem>>) src(%dma_wait3A_116 : memref<128x128xf32, #tpu.memory_space<vmem>>) dst(%dma_wait3A_112 : memref<128x128xf32, #tpu.memory_space<vmem_shared>>)
      tpu.yield
    }) : () -> ()
    %add3A_31 = arith.constant 384 : i32
    %add3A_32 = arith.addi %multiple_of3A, %add3A_31 : i32
    %run_scoped3A_33 = arith.constant 0 : i32
    "tpu.region"() ({
      %run_scoped3A_92 = tpu.sem_alloc : memref<!tpu.dma_semaphore, #tpu.memory_space<semaphore_mem>>
      %dma_start3A_93 = arith.constant 0 : i32
      %dma_start3A_94 = arith.constant 0 : i32
      %dma_start3A_95 = tpu.memref_slice %arg11[%run_scoped3A_33, %dma_start3A_93, %dma_start3A_94] : memref<2x128x128xf32, #tpu.memory_space<vmem>> -> memref<1x128x128xf32, #tpu.memory_space<vmem>>
      %dma_start3A_96 = tpu.memref_squeeze %dma_start3A_95 : memref<1x128x128xf32, #tpu.memory_space<vmem>> -> memref<128x128xf32, #tpu.memory_space<vmem>>
      %dma_start3A_97 = arith.constant 0 : i32
      %dma_start3A_98 = tpu.memref_slice %arg14[%add3A_32, %dma_start3A_97] : memref<10240x128xf32, #tpu.memory_space<vmem_shared>> -> memref<128x128xf32, #tpu.memory_space<vmem_shared>>
      %dma_start3A_99 = arith.constant 0 : i32
      %dma_start3A_100 = tpu.memref_slice %arg14[%add3A_32, %dma_start3A_99] : memref<10240x128xf32, #tpu.memory_space<vmem_shared>> -> memref<128x128xf32, #tpu.memory_space<vmem_shared>>
      %dma_start3A_101 = arith.constant 0 : i32
      %dma_start3A_102 = arith.constant 0 : i32
      %dma_start3A_103 = tpu.memref_slice %arg11[%run_scoped3A_33, %dma_start3A_101, %dma_start3A_102] : memref<2x128x128xf32, #tpu.memory_space<vmem>> -> memref<1x128x128xf32, #tpu.memory_space<vmem>>
      %dma_start3A_104 = tpu.memref_squeeze %dma_start3A_103 : memref<1x128x128xf32, #tpu.memory_space<vmem>> -> memref<128x128xf32, #tpu.memory_space<vmem>>
      tpu.enqueue_dma source(%dma_start3A_104 : memref<128x128xf32, #tpu.memory_space<vmem>>) target(%dma_start3A_100 : memref<128x128xf32, #tpu.memory_space<vmem_shared>>) target_semaphore(%run_scoped3A_92 : memref<!tpu.dma_semaphore, #tpu.memory_space<semaphore_mem>>)
      %dma_wait3A_105 = arith.constant 0 : i32
      %dma_wait3A_106 = arith.constant 0 : i32
      %dma_wait3A_107 = tpu.memref_slice %arg11[%run_scoped3A_33, %dma_wait3A_105, %dma_wait3A_106] : memref<2x128x128xf32, #tpu.memory_space<vmem>> -> memref<1x128x128xf32, #tpu.memory_space<vmem>>
      %dma_wait3A_108 = tpu.memref_squeeze %dma_wait3A_107 : memref<1x128x128xf32, #tpu.memory_space<vmem>> -> memref<128x128xf32, #tpu.memory_space<vmem>>
      %dma_wait3A_109 = arith.constant 0 : i32
      %dma_wait3A_110 = tpu.memref_slice %arg14[%add3A_32, %dma_wait3A_109] : memref<10240x128xf32, #tpu.memory_space<vmem_shared>> -> memref<128x128xf32, #tpu.memory_space<vmem_shared>>
      %dma_wait3A_111 = arith.constant 0 : i32
      %dma_wait3A_112 = tpu.memref_slice %arg14[%add3A_32, %dma_wait3A_111] : memref<10240x128xf32, #tpu.memory_space<vmem_shared>> -> memref<128x128xf32, #tpu.memory_space<vmem_shared>>
      %dma_wait3A_113 = arith.constant 0 : i32
      %dma_wait3A_114 = arith.constant 0 : i32
      %dma_wait3A_115 = tpu.memref_slice %arg11[%run_scoped3A_33, %dma_wait3A_113, %dma_wait3A_114] : memref<2x128x128xf32, #tpu.memory_space<vmem>> -> memref<1x128x128xf32, #tpu.memory_space<vmem>>
      %dma_wait3A_116 = tpu.memref_squeeze %dma_wait3A_115 : memref<1x128x128xf32, #tpu.memory_space<vmem>> -> memref<128x128xf32, #tpu.memory_space<vmem>>
      tpu.wait_dma2 semaphore(%run_scoped3A_92 : memref<!tpu.dma_semaphore, #tpu.memory_space<semaphore_mem>>) src(%dma_wait3A_116 : memref<128x128xf32, #tpu.memory_space<vmem>>) dst(%dma_wait3A_112 : memref<128x128xf32, #tpu.memory_space<vmem_shared>>)
      tpu.yield
    }) : () -> ()
    %add3A_34 = arith.constant 512 : i32
    %add3A_35 = arith.addi %multiple_of3A, %add3A_34 : i32
    %run_scoped3A_36 = arith.constant 0 : i32
    "tpu.region"() ({
      %run_scoped3A_92 = tpu.sem_alloc : memref<!tpu.dma_semaphore, #tpu.memory_space<semaphore_mem>>
      %dma_start3A_93 = arith.constant 0 : i32
      %dma_start3A_94 = arith.constant 0 : i32
      %dma_start3A_95 = tpu.memref_slice %arg11[%run_scoped3A_36, %dma_start3A_93, %dma_start3A_94] : memref<2x128x128xf32, #tpu.memory_space<vmem>> -> memref<1x128x128xf32, #tpu.memory_space<vmem>>
      %dma_start3A_96 = tpu.memref_squeeze %dma_start3A_95 : memref<1x128x128xf32, #tpu.memory_space<vmem>> -> memref<128x128xf32, #tpu.memory_space<vmem>>
      %dma_start3A_97 = arith.constant 0 : i32
      %dma_start3A_98 = tpu.memref_slice %arg14[%add3A_35, %dma_start3A_97] : memref<10240x128xf32, #tpu.memory_space<vmem_shared>> -> memref<128x128xf32, #tpu.memory_space<vmem_shared>>
      %dma_start3A_99 = arith.constant 0 : i32
      %dma_start3A_100 = tpu.memref_slice %arg14[%add3A_35, %dma_start3A_99] : memref<10240x128xf32, #tpu.memory_space<vmem_shared>> -> memref<128x128xf32, #tpu.memory_space<vmem_shared>>
      %dma_start3A_101 = arith.constant 0 : i32
      %dma_start3A_102 = arith.constant 0 : i32
      %dma_start3A_103 = tpu.memref_slice %arg11[%run_scoped3A_36, %dma_start3A_101, %dma_start3A_102] : memref<2x128x128xf32, #tpu.memory_space<vmem>> -> memref<1x128x128xf32, #tpu.memory_space<vmem>>
      %dma_start3A_104 = tpu.memref_squeeze %dma_start3A_103 : memref<1x128x128xf32, #tpu.memory_space<vmem>> -> memref<128x128xf32, #tpu.memory_space<vmem>>
      tpu.enqueue_dma source(%dma_start3A_104 : memref<128x128xf32, #tpu.memory_space<vmem>>) target(%dma_start3A_100 : memref<128x128xf32, #tpu.memory_space<vmem_shared>>) target_semaphore(%run_scoped3A_92 : memref<!tpu.dma_semaphore, #tpu.memory_space<semaphore_mem>>)
      %dma_wait3A_105 = arith.constant 0 : i32
      %dma_wait3A_106 = arith.constant 0 : i32
      %dma_wait3A_107 = tpu.memref_slice %arg11[%run_scoped3A_36, %dma_wait3A_105, %dma_wait3A_106] : memref<2x128x128xf32, #tpu.memory_space<vmem>> -> memref<1x128x128xf32, #tpu.memory_space<vmem>>
      %dma_wait3A_108 = tpu.memref_squeeze %dma_wait3A_107 : memref<1x128x128xf32, #tpu.memory_space<vmem>> -> memref<128x128xf32, #tpu.memory_space<vmem>>
      %dma_wait3A_109 = arith.constant 0 : i32
      %dma_wait3A_110 = tpu.memref_slice %arg14[%add3A_35, %dma_wait3A_109] : memref<10240x128xf32, #tpu.memory_space<vmem_shared>> -> memref<128x128xf32, #tpu.memory_space<vmem_shared>>
      %dma_wait3A_111 = arith.constant 0 : i32
      %dma_wait3A_112 = tpu.memref_slice %arg14[%add3A_35, %dma_wait3A_111] : memref<10240x128xf32, #tpu.memory_space<vmem_shared>> -> memref<128x128xf32, #tpu.memory_space<vmem_shared>>
      %dma_wait3A_113 = arith.constant 0 : i32
      %dma_wait3A_114 = arith.constant 0 : i32
      %dma_wait3A_115 = tpu.memref_slice %arg11[%run_scoped3A_36, %dma_wait3A_113, %dma_wait3A_114] : memref<2x128x128xf32, #tpu.memory_space<vmem>> -> memref<1x128x128xf32, #tpu.memory_space<vmem>>
      %dma_wait3A_116 = tpu.memref_squeeze %dma_wait3A_115 : memref<1x128x128xf32, #tpu.memory_space<vmem>> -> memref<128x128xf32, #tpu.memory_space<vmem>>
      tpu.wait_dma2 semaphore(%run_scoped3A_92 : memref<!tpu.dma_semaphore, #tpu.memory_space<semaphore_mem>>) src(%dma_wait3A_116 : memref<128x128xf32, #tpu.memory_space<vmem>>) dst(%dma_wait3A_112 : memref<128x128xf32, #tpu.memory_space<vmem_shared>>)
      tpu.yield
    }) : () -> ()
    "tpu.region"() ({
      %run_scoped3A_92 = tpu.sem_alloc : memref<!tpu.dma_semaphore, #tpu.memory_space<semaphore_mem>>
      %dma_start3A_93 = tpu.memref_slice %arg15[%multiple_of3A] : memref<10240xf32, #tpu.memory_space<vmem_shared>> -> memref<640xf32, #tpu.memory_space<vmem_shared>>
      %dma_start3A_94 = tpu.memref_slice %arg15[%multiple_of3A] : memref<10240xf32, #tpu.memory_space<vmem_shared>> -> memref<640xf32, #tpu.memory_space<vmem_shared>>
      tpu.enqueue_dma source(%arg13 : memref<640xf32, #tpu.memory_space<vmem>>) target(%dma_start3A_94 : memref<640xf32, #tpu.memory_space<vmem_shared>>) target_semaphore(%run_scoped3A_92 : memref<!tpu.dma_semaphore, #tpu.memory_space<semaphore_mem>>)
      %dma_wait3A_95 = tpu.memref_slice %arg15[%multiple_of3A] : memref<10240xf32, #tpu.memory_space<vmem_shared>> -> memref<640xf32, #tpu.memory_space<vmem_shared>>
      %dma_wait3A_96 = tpu.memref_slice %arg15[%multiple_of3A] : memref<10240xf32, #tpu.memory_space<vmem_shared>> -> memref<640xf32, #tpu.memory_space<vmem_shared>>
      tpu.wait_dma2 semaphore(%run_scoped3A_92 : memref<!tpu.dma_semaphore, #tpu.memory_space<semaphore_mem>>) src(%arg13 : memref<640xf32, #tpu.memory_space<vmem>>) dst(%dma_wait3A_96 : memref<640xf32, #tpu.memory_space<vmem_shared>>)
      tpu.yield
    }) : () -> ()
    %barrier3A = arith.constant 0 : index
    tpu.barrier barrier_id(%barrier3A)
    %add3A_37 = arith.constant 0 : i32
    %add3A_38 = arith.addi %add3A_37, %add3A : i32
    %dma_start3A = arith.constant 0 : i32
    %dma_start3A_39 = tpu.memref_slice %arg3[%add3A_38, %dma_start3A] : memref<2560x128xi32, #tpu.memory_space<hbm>> -> memref<1x128xi32, #tpu.memory_space<hbm>>
    %dma_start3A_40 = tpu.memref_squeeze %dma_start3A_39 : memref<1x128xi32, #tpu.memory_space<hbm>> -> memref<128xi32, #tpu.memory_space<hbm>>
    %dma_start3A_41 = arith.constant 0 : i32
    %dma_start3A_42 = tpu.memref_slice %arg3[%add3A_38, %dma_start3A_41] : memref<2560x128xi32, #tpu.memory_space<hbm>> -> memref<1x128xi32, #tpu.memory_space<hbm>>
    %dma_start3A_43 = tpu.memref_squeeze %dma_start3A_42 : memref<1x128xi32, #tpu.memory_space<hbm>> -> memref<128xi32, #tpu.memory_space<hbm>>
    tpu.enqueue_dma source(%dma_start3A_43 : memref<128xi32, #tpu.memory_space<hbm>>) target(%arg7 : memref<128xi32, #tpu.memory_space<vmem>>) target_semaphore(%arg16 : memref<!tpu.dma_semaphore, #tpu.memory_space<semaphore_mem>>)
    %dma_start3A_44 = arith.constant 0 : i32
    %dma_start3A_45 = tpu.memref_slice %arg4[%add3A_38, %dma_start3A_44] : memref<2560x128xi32, #tpu.memory_space<hbm>> -> memref<1x128xi32, #tpu.memory_space<hbm>>
    %dma_start3A_46 = tpu.memref_squeeze %dma_start3A_45 : memref<1x128xi32, #tpu.memory_space<hbm>> -> memref<128xi32, #tpu.memory_space<hbm>>
    %dma_start3A_47 = arith.constant 0 : i32
    %dma_start3A_48 = tpu.memref_slice %arg4[%add3A_38, %dma_start3A_47] : memref<2560x128xi32, #tpu.memory_space<hbm>> -> memref<1x128xi32, #tpu.memory_space<hbm>>
    %dma_start3A_49 = tpu.memref_squeeze %dma_start3A_48 : memref<1x128xi32, #tpu.memory_space<hbm>> -> memref<128xi32, #tpu.memory_space<hbm>>
    tpu.enqueue_dma source(%dma_start3A_49 : memref<128xi32, #tpu.memory_space<hbm>>) target(%arg9 : memref<128xi32, #tpu.memory_space<vmem>>) target_semaphore(%arg16 : memref<!tpu.dma_semaphore, #tpu.memory_space<semaphore_mem>>)
    %add3A_50 = arith.constant 32 : i32
    %add3A_51 = arith.addi %add3A_50, %add3A : i32
    %dma_start3A_52 = arith.constant 0 : i32
    %dma_start3A_53 = tpu.memref_slice %arg3[%add3A_51, %dma_start3A_52] : memref<2560x128xi32, #tpu.memory_space<hbm>> -> memref<1x128xi32, #tpu.memory_space<hbm>>
    %dma_start3A_54 = tpu.memref_squeeze %dma_start3A_53 : memref<1x128xi32, #tpu.memory_space<hbm>> -> memref<128xi32, #tpu.memory_space<hbm>>
    %dma_start3A_55 = arith.constant 0 : i32
    %dma_start3A_56 = tpu.memref_slice %arg3[%add3A_51, %dma_start3A_55] : memref<2560x128xi32, #tpu.memory_space<hbm>> -> memref<1x128xi32, #tpu.memory_space<hbm>>
    %dma_start3A_57 = tpu.memref_squeeze %dma_start3A_56 : memref<1x128xi32, #tpu.memory_space<hbm>> -> memref<128xi32, #tpu.memory_space<hbm>>
    tpu.enqueue_dma source(%dma_start3A_57 : memref<128xi32, #tpu.memory_space<hbm>>) target(%arg8 : memref<128xi32, #tpu.memory_space<vmem>>) target_semaphore(%arg17 : memref<!tpu.dma_semaphore, #tpu.memory_space<semaphore_mem>>)
    %dma_start3A_58 = arith.constant 0 : i32
    %dma_start3A_59 = tpu.memref_slice %arg4[%add3A_51, %dma_start3A_58] : memref<2560x128xi32, #tpu.memory_space<hbm>> -> memref<1x128xi32, #tpu.memory_space<hbm>>
    %dma_start3A_60 = tpu.memref_squeeze %dma_start3A_59 : memref<1x128xi32, #tpu.memory_space<hbm>> -> memref<128xi32, #tpu.memory_space<hbm>>
    %dma_start3A_61 = arith.constant 0 : i32
    %dma_start3A_62 = tpu.memref_slice %arg4[%add3A_51, %dma_start3A_61] : memref<2560x128xi32, #tpu.memory_space<hbm>> -> memref<1x128xi32, #tpu.memory_space<hbm>>
    %dma_start3A_63 = tpu.memref_squeeze %dma_start3A_62 : memref<1x128xi32, #tpu.memory_space<hbm>> -> memref<128xi32, #tpu.memory_space<hbm>>
    tpu.enqueue_dma source(%dma_start3A_63 : memref<128xi32, #tpu.memory_space<hbm>>) target(%arg10 : memref<128xi32, #tpu.memory_space<vmem>>) target_semaphore(%arg17 : memref<!tpu.dma_semaphore, #tpu.memory_space<semaphore_mem>>)
    %dma_wait3A = arith.constant 0 : i32
    %dma_wait3A_64 = arith.constant 0 : i32
    %dma_wait3A_65 = tpu.memref_slice %arg3[%dma_wait3A, %dma_wait3A_64] : memref<2560x128xi32, #tpu.memory_space<hbm>> -> memref<1x128xi32, #tpu.memory_space<hbm>>
    %dma_wait3A_66 = tpu.memref_squeeze %dma_wait3A_65 : memref<1x128xi32, #tpu.memory_space<hbm>> -> memref<128xi32, #tpu.memory_space<hbm>>
    %dma_wait3A_67 = arith.constant 0 : i32
    %dma_wait3A_68 = tpu.memref_slice %arg3[%dma_wait3A, %dma_wait3A_67] : memref<2560x128xi32, #tpu.memory_space<hbm>> -> memref<1x128xi32, #tpu.memory_space<hbm>>
    %dma_wait3A_69 = tpu.memref_squeeze %dma_wait3A_68 : memref<1x128xi32, #tpu.memory_space<hbm>> -> memref<128xi32, #tpu.memory_space<hbm>>
    tpu.wait_dma2 semaphore(%arg16 : memref<!tpu.dma_semaphore, #tpu.memory_space<semaphore_mem>>) src(%dma_wait3A_69 : memref<128xi32, #tpu.memory_space<hbm>>) dst(%arg7 : memref<128xi32, #tpu.memory_space<vmem>>)
    %dma_wait3A_70 = arith.constant 0 : i32
    %dma_wait3A_71 = arith.constant 0 : i32
    %dma_wait3A_72 = tpu.memref_slice %arg4[%dma_wait3A_70, %dma_wait3A_71] : memref<2560x128xi32, #tpu.memory_space<hbm>> -> memref<1x128xi32, #tpu.memory_space<hbm>>
    %dma_wait3A_73 = tpu.memref_squeeze %dma_wait3A_72 : memref<1x128xi32, #tpu.memory_space<hbm>> -> memref<128xi32, #tpu.memory_space<hbm>>
    %dma_wait3A_74 = arith.constant 0 : i32
    %dma_wait3A_75 = tpu.memref_slice %arg4[%dma_wait3A_70, %dma_wait3A_74] : memref<2560x128xi32, #tpu.memory_space<hbm>> -> memref<1x128xi32, #tpu.memory_space<hbm>>
    %dma_wait3A_76 = tpu.memref_squeeze %dma_wait3A_75 : memref<1x128xi32, #tpu.memory_space<hbm>> -> memref<128xi32, #tpu.memory_space<hbm>>
    tpu.wait_dma2 semaphore(%arg16 : memref<!tpu.dma_semaphore, #tpu.memory_space<semaphore_mem>>) src(%dma_wait3A_76 : memref<128xi32, #tpu.memory_space<hbm>>) dst(%arg9 : memref<128xi32, #tpu.memory_space<vmem>>)
    %dma_start3A_77 = arith.constant 0 : i32
    %dma_start3A_78 = arith.constant 0 : i32
    %dma_start3A_79 = arith.constant 0 : i32
    %dma_start3A_80 = tpu.memref_slice %arg11[%dma_start3A_77, %dma_start3A_78, %dma_start3A_79] : memref<2x128x128xf32, #tpu.memory_space<vmem>> -> memref<1x128x128xf32, #tpu.memory_space<vmem>>
    %dma_start3A_81 = tpu.memref_squeeze %dma_start3A_80 : memref<1x128x128xf32, #tpu.memory_space<vmem>> -> memref<128x128xf32, #tpu.memory_space<vmem>>
    %dma_start3A_82 = arith.constant 0 : i32
    %dma_start3A_83 = arith.constant 0 : i32
    %dma_start3A_84 = tpu.memref_slice %arg2[%dma_start3A_82, %dma_start3A_83] : memref<10000x128xf32, #tpu.memory_space<hbm>> -> memref<10000x128xf32, #tpu.memory_space<hbm>>
    tpu.enqueue_indirect_dma source(%dma_start3A_84 : memref<10000x128xf32, #tpu.memory_space<hbm>>) target(%dma_start3A_81 : memref<128x128xf32, #tpu.memory_space<vmem>>) offsets(%arg7 : memref<128xi32, #tpu.memory_space<vmem>>) semaphore(%arg18 : memref<!tpu.dma_semaphore, #tpu.memory_space<semaphore_mem>>)
    %scan3A_85 = arith.constant 0 : i32
    %scan3A_86 = arith.constant 0 : i32
    %scan3A_87 = arith.constant 40 : i32
    %scan3A_88 = arith.addi %scan3A_86, %scan3A_87 : i32
    %scan3A_89 = arith.constant 1 : i32
    scf.for %scan3A_92 = %scan3A_86 to %scan3A_88 step %scan3A_89  : i32 {
      %mul3A_93 = arith.constant 2 : i32
      %mul3A_94 = arith.muli %mul3A_93, %scan3A_92 : i32
      %add3A_95 = arith.constant 0 : i32
      %add3A_96 = arith.addi %mul3A_94, %add3A_95 : i32
      %add3A_97 = arith.constant 1 : i32
      %add3A_98 = arith.addi %add3A_96, %add3A_97 : i32
      %lt3A = arith.constant 80 : i32
      %lt3A_99 = arith.cmpi slt, %add3A_98, %lt3A : i32
      %convert_element_type3A = arith.extui %lt3A_99 : i1 to i32
      %cond3A = arith.constant 0 : i32
      %cond3A_100 = arith.cmpi ne, %convert_element_type3A, %cond3A : i32
      scf.if %cond3A_100 {
        %dma_wait3A_144 = arith.constant 0 : i32
        %dma_wait3A_145 = arith.constant 0 : i32
        %dma_wait3A_146 = tpu.memref_slice %arg3[%dma_wait3A_144, %dma_wait3A_145] : memref<2560x128xi32, #tpu.memory_space<hbm>> -> memref<1x128xi32, #tpu.memory_space<hbm>>
        %dma_wait3A_147 = tpu.memref_squeeze %dma_wait3A_146 : memref<1x128xi32, #tpu.memory_space<hbm>> -> memref<128xi32, #tpu.memory_space<hbm>>
        %dma_wait3A_148 = arith.constant 0 : i32
        %dma_wait3A_149 = tpu.memref_slice %arg3[%dma_wait3A_144, %dma_wait3A_148] : memref<2560x128xi32, #tpu.memory_space<hbm>> -> memref<1x128xi32, #tpu.memory_space<hbm>>
        %dma_wait3A_150 = tpu.memref_squeeze %dma_wait3A_149 : memref<1x128xi32, #tpu.memory_space<hbm>> -> memref<128xi32, #tpu.memory_space<hbm>>
        tpu.wait_dma2 semaphore(%arg17 : memref<!tpu.dma_semaphore, #tpu.memory_space<semaphore_mem>>) src(%dma_wait3A_150 : memref<128xi32, #tpu.memory_space<hbm>>) dst(%arg8 : memref<128xi32, #tpu.memory_space<vmem>>)
        %dma_wait3A_151 = arith.constant 0 : i32
        %dma_wait3A_152 = arith.constant 0 : i32
        %dma_wait3A_153 = tpu.memref_slice %arg4[%dma_wait3A_151, %dma_wait3A_152] : memref<2560x128xi32, #tpu.memory_space<hbm>> -> memref<1x128xi32, #tpu.memory_space<hbm>>
        %dma_wait3A_154 = tpu.memref_squeeze %dma_wait3A_153 : memref<1x128xi32, #tpu.memory_space<hbm>> -> memref<128xi32, #tpu.memory_space<hbm>>
        %dma_wait3A_155 = arith.constant 0 : i32
        %dma_wait3A_156 = tpu.memref_slice %arg4[%dma_wait3A_151, %dma_wait3A_155] : memref<2560x128xi32, #tpu.memory_space<hbm>> -> memref<1x128xi32, #tpu.memory_space<hbm>>
        %dma_wait3A_157 = tpu.memref_squeeze %dma_wait3A_156 : memref<1x128xi32, #tpu.memory_space<hbm>> -> memref<128xi32, #tpu.memory_space<hbm>>
        tpu.wait_dma2 semaphore(%arg17 : memref<!tpu.dma_semaphore, #tpu.memory_space<semaphore_mem>>) src(%dma_wait3A_157 : memref<128xi32, #tpu.memory_space<hbm>>) dst(%arg10 : memref<128xi32, #tpu.memory_space<vmem>>)
        %dma_start3A_158 = arith.constant 1 : i32
        %dma_start3A_159 = arith.constant 0 : i32
        %dma_start3A_160 = arith.constant 0 : i32
        %dma_start3A_161 = tpu.memref_slice %arg11[%dma_start3A_158, %dma_start3A_159, %dma_start3A_160] : memref<2x128x128xf32, #tpu.memory_space<vmem>> -> memref<1x128x128xf32, #tpu.memory_space<vmem>>
        %dma_start3A_162 = tpu.memref_squeeze %dma_start3A_161 : memref<1x128x128xf32, #tpu.memory_space<vmem>> -> memref<128x128xf32, #tpu.memory_space<vmem>>
        %dma_start3A_163 = arith.constant 0 : i32
        %dma_start3A_164 = arith.constant 0 : i32
        %dma_start3A_165 = tpu.memref_slice %arg2[%dma_start3A_163, %dma_start3A_164] : memref<10000x128xf32, #tpu.memory_space<hbm>> -> memref<10000x128xf32, #tpu.memory_space<hbm>>
        tpu.enqueue_indirect_dma source(%dma_start3A_165 : memref<10000x128xf32, #tpu.memory_space<hbm>>) target(%dma_start3A_162 : memref<128x128xf32, #tpu.memory_space<vmem>>) offsets(%arg8 : memref<128xi32, #tpu.memory_space<vmem>>) semaphore(%arg19 : memref<!tpu.dma_semaphore, #tpu.memory_space<semaphore_mem>>)
      } else {
      }
      %dma_wait3A_101 = arith.constant 0 : i32
      %dma_wait3A_102 = arith.constant 0 : i32
      %dma_wait3A_103 = arith.constant 0 : i32
      %dma_wait3A_104 = tpu.memref_slice %arg11[%dma_wait3A_101, %dma_wait3A_102, %dma_wait3A_103] : memref<2x128x128xf32, #tpu.memory_space<vmem>> -> memref<1x128x128xf32, #tpu.memory_space<vmem>>
      %dma_wait3A_105 = tpu.memref_squeeze %dma_wait3A_104 : memref<1x128x128xf32, #tpu.memory_space<vmem>> -> memref<128x128xf32, #tpu.memory_space<vmem>>
      %dma_wait3A_106 = arith.constant 0 : i32
      %dma_wait3A_107 = arith.constant 0 : i32
      %dma_wait3A_108 = tpu.memref_slice %arg2[%dma_wait3A_106, %dma_wait3A_107] : memref<10000x128xf32, #tpu.memory_space<hbm>> -> memref<10000x128xf32, #tpu.memory_space<hbm>>
      tpu.wait_indirect_dma semaphore(%arg18 : memref<!tpu.dma_semaphore, #tpu.memory_space<semaphore_mem>>) src(%dma_wait3A_108 : memref<10000x128xf32, #tpu.memory_space<hbm>>) dst(%dma_wait3A_105 : memref<128x128xf32, #tpu.memory_space<vmem>>)
      %run_scoped3A_109 = arith.constant 0 : i32
      "tpu.region"() ({
        %run_scoped3A_144 = tpu.sem_alloc : memref<!tpu.dma_semaphore, #tpu.memory_space<semaphore_mem>>
        %dma_start3A_145 = arith.constant 0 : i32
        %dma_start3A_146 = arith.constant 0 : i32
        %dma_start3A_147 = tpu.memref_slice %arg11[%run_scoped3A_109, %dma_start3A_145, %dma_start3A_146] : memref<2x128x128xf32, #tpu.memory_space<vmem>> -> memref<1x128x128xf32, #tpu.memory_space<vmem>>
        %dma_start3A_148 = tpu.memref_squeeze %dma_start3A_147 : memref<1x128x128xf32, #tpu.memory_space<vmem>> -> memref<128x128xf32, #tpu.memory_space<vmem>>
        %dma_start3A_149 = arith.constant 0 : i32
        %dma_start3A_150 = arith.constant 0 : i32
        %dma_start3A_151 = tpu.memref_slice %arg14[%dma_start3A_149, %dma_start3A_150] : memref<10240x128xf32, #tpu.memory_space<vmem_shared>> -> memref<10240x128xf32, #tpu.memory_space<vmem_shared>>
        tpu.enqueue_indirect_dma source(%dma_start3A_148 : memref<128x128xf32, #tpu.memory_space<vmem>>) target(%dma_start3A_151 : memref<10240x128xf32, #tpu.memory_space<vmem_shared>>) offsets(%arg9 : memref<128xi32, #tpu.memory_space<vmem>>) semaphore(%run_scoped3A_144 : memref<!tpu.dma_semaphore, #tpu.memory_space<semaphore_mem>>) {add = true}
        %dma_wait3A_152 = arith.constant 0 : i32
        %dma_wait3A_153 = arith.constant 0 : i32
        %dma_wait3A_154 = tpu.memref_slice %arg11[%run_scoped3A_109, %dma_wait3A_152, %dma_wait3A_153] : memref<2x128x128xf32, #tpu.memory_space<vmem>> -> memref<1x128x128xf32, #tpu.memory_space<vmem>>
        %dma_wait3A_155 = tpu.memref_squeeze %dma_wait3A_154 : memref<1x128x128xf32, #tpu.memory_space<vmem>> -> memref<128x128xf32, #tpu.memory_space<vmem>>
        %dma_wait3A_156 = arith.constant 0 : i32
        %dma_wait3A_157 = arith.constant 0 : i32
        %dma_wait3A_158 = tpu.memref_slice %arg14[%dma_wait3A_156, %dma_wait3A_157] : memref<10240x128xf32, #tpu.memory_space<vmem_shared>> -> memref<10240x128xf32, #tpu.memory_space<vmem_shared>>
        tpu.wait_indirect_dma semaphore(%run_scoped3A_144 : memref<!tpu.dma_semaphore, #tpu.memory_space<semaphore_mem>>) src(%dma_wait3A_155 : memref<128x128xf32, #tpu.memory_space<vmem>>) dst(%dma_wait3A_158 : memref<10240x128xf32, #tpu.memory_space<vmem_shared>>)
        tpu.yield
      }) : () -> ()
      "tpu.region"() ({
        %run_scoped3A_144 = tpu.sem_alloc : memref<!tpu.dma_semaphore, #tpu.memory_space<semaphore_mem>>
        %dma_start3A_145 = arith.constant 0 : i32
        %dma_start3A_146 = tpu.memref_slice %arg15[%dma_start3A_145] : memref<10240xf32, #tpu.memory_space<vmem_shared>> -> memref<10240xf32, #tpu.memory_space<vmem_shared>>
        tpu.enqueue_indirect_dma source(%arg12 : memref<128xf32, #tpu.memory_space<vmem>>) target(%dma_start3A_146 : memref<10240xf32, #tpu.memory_space<vmem_shared>>) offsets(%arg9 : memref<128xi32, #tpu.memory_space<vmem>>) semaphore(%run_scoped3A_144 : memref<!tpu.dma_semaphore, #tpu.memory_space<semaphore_mem>>) {add = true}
        %dma_wait3A_147 = arith.constant 0 : i32
        %dma_wait3A_148 = tpu.memref_slice %arg15[%dma_wait3A_147] : memref<10240xf32, #tpu.memory_space<vmem_shared>> -> memref<10240xf32, #tpu.memory_space<vmem_shared>>
        tpu.wait_indirect_dma semaphore(%run_scoped3A_144 : memref<!tpu.dma_semaphore, #tpu.memory_space<semaphore_mem>>) src(%arg12 : memref<128xf32, #tpu.memory_space<vmem>>) dst(%dma_wait3A_148 : memref<10240xf32, #tpu.memory_space<vmem_shared>>)
        tpu.yield
      }) : () -> ()
      %add3A_110 = arith.constant 2 : i32
      %add3A_111 = arith.addi %add3A_96, %add3A_110 : i32
      %lt3A_112 = arith.constant 80 : i32
      %lt3A_113 = arith.cmpi slt, %add3A_111, %lt3A_112 : i32
      %convert_element_type3A_114 = arith.extui %lt3A_113 : i1 to i32
      %cond3A_115 = arith.constant 0 : i32
      %cond3A_116 = arith.cmpi ne, %convert_element_type3A_114, %cond3A_115 : i32
      scf.if %cond3A_116 {
        %add3A_144 = arith.constant 2 : i32
        %add3A_145 = arith.addi %add3A_96, %add3A_144 : i32
        %mul3A_146 = arith.constant 32 : i32
        %mul3A_147 = arith.muli %add3A_145, %mul3A_146 : i32
        %add3A_148 = arith.addi %mul3A_147, %add3A : i32
        %dma_start3A_149 = arith.constant 0 : i32
        %dma_start3A_150 = tpu.memref_slice %arg3[%add3A_148, %dma_start3A_149] : memref<2560x128xi32, #tpu.memory_space<hbm>> -> memref<1x128xi32, #tpu.memory_space<hbm>>
        %dma_start3A_151 = tpu.memref_squeeze %dma_start3A_150 : memref<1x128xi32, #tpu.memory_space<hbm>> -> memref<128xi32, #tpu.memory_space<hbm>>
        %dma_start3A_152 = arith.constant 0 : i32
        %dma_start3A_153 = tpu.memref_slice %arg3[%add3A_148, %dma_start3A_152] : memref<2560x128xi32, #tpu.memory_space<hbm>> -> memref<1x128xi32, #tpu.memory_space<hbm>>
        %dma_start3A_154 = tpu.memref_squeeze %dma_start3A_153 : memref<1x128xi32, #tpu.memory_space<hbm>> -> memref<128xi32, #tpu.memory_space<hbm>>
        tpu.enqueue_dma source(%dma_start3A_154 : memref<128xi32, #tpu.memory_space<hbm>>) target(%arg7 : memref<128xi32, #tpu.memory_space<vmem>>) target_semaphore(%arg16 : memref<!tpu.dma_semaphore, #tpu.memory_space<semaphore_mem>>)
        %dma_start3A_155 = arith.constant 0 : i32
        %dma_start3A_156 = tpu.memref_slice %arg4[%add3A_148, %dma_start3A_155] : memref<2560x128xi32, #tpu.memory_space<hbm>> -> memref<1x128xi32, #tpu.memory_space<hbm>>
        %dma_start3A_157 = tpu.memref_squeeze %dma_start3A_156 : memref<1x128xi32, #tpu.memory_space<hbm>> -> memref<128xi32, #tpu.memory_space<hbm>>
        %dma_start3A_158 = arith.constant 0 : i32
        %dma_start3A_159 = tpu.memref_slice %arg4[%add3A_148, %dma_start3A_158] : memref<2560x128xi32, #tpu.memory_space<hbm>> -> memref<1x128xi32, #tpu.memory_space<hbm>>
        %dma_start3A_160 = tpu.memref_squeeze %dma_start3A_159 : memref<1x128xi32, #tpu.memory_space<hbm>> -> memref<128xi32, #tpu.memory_space<hbm>>
        tpu.enqueue_dma source(%dma_start3A_160 : memref<128xi32, #tpu.memory_space<hbm>>) target(%arg9 : memref<128xi32, #tpu.memory_space<vmem>>) target_semaphore(%arg16 : memref<!tpu.dma_semaphore, #tpu.memory_space<semaphore_mem>>)
      } else {
      }
      %mul3A_117 = arith.constant 2 : i32
      %mul3A_118 = arith.muli %mul3A_117, %scan3A_92 : i32
      %add3A_119 = arith.constant 1 : i32
      %add3A_120 = arith.addi %mul3A_118, %add3A_119 : i32
      %add3A_121 = arith.constant 1 : i32
      %add3A_122 = arith.addi %add3A_120, %add3A_121 : i32
      %lt3A_123 = arith.constant 80 : i32
      %lt3A_124 = arith.cmpi slt, %add3A_122, %lt3A_123 : i32
      %convert_element_type3A_125 = arith.extui %lt3A_124 : i1 to i32
      %cond3A_126 = arith.constant 0 : i32
      %cond3A_127 = arith.cmpi ne, %convert_element_type3A_125, %cond3A_126 : i32
      scf.if %cond3A_127 {
        %dma_wait3A_144 = arith.constant 0 : i32
        %dma_wait3A_145 = arith.constant 0 : i32
        %dma_wait3A_146 = tpu.memref_slice %arg3[%dma_wait3A_144, %dma_wait3A_145] : memref<2560x128xi32, #tpu.memory_space<hbm>> -> memref<1x128xi32, #tpu.memory_space<hbm>>
        %dma_wait3A_147 = tpu.memref_squeeze %dma_wait3A_146 : memref<1x128xi32, #tpu.memory_space<hbm>> -> memref<128xi32, #tpu.memory_space<hbm>>
        %dma_wait3A_148 = arith.constant 0 : i32
        %dma_wait3A_149 = tpu.memref_slice %arg3[%dma_wait3A_144, %dma_wait3A_148] : memref<2560x128xi32, #tpu.memory_space<hbm>> -> memref<1x128xi32, #tpu.memory_space<hbm>>
        %dma_wait3A_150 = tpu.memref_squeeze %dma_wait3A_149 : memref<1x128xi32, #tpu.memory_space<hbm>> -> memref<128xi32, #tpu.memory_space<hbm>>
        tpu.wait_dma2 semaphore(%arg16 : memref<!tpu.dma_semaphore, #tpu.memory_space<semaphore_mem>>) src(%dma_wait3A_150 : memref<128xi32, #tpu.memory_space<hbm>>) dst(%arg7 : memref<128xi32, #tpu.memory_space<vmem>>)
        %dma_wait3A_151 = arith.constant 0 : i32
        %dma_wait3A_152 = arith.constant 0 : i32
        %dma_wait3A_153 = tpu.memref_slice %arg4[%dma_wait3A_151, %dma_wait3A_152] : memref<2560x128xi32, #tpu.memory_space<hbm>> -> memref<1x128xi32, #tpu.memory_space<hbm>>
        %dma_wait3A_154 = tpu.memref_squeeze %dma_wait3A_153 : memref<1x128xi32, #tpu.memory_space<hbm>> -> memref<128xi32, #tpu.memory_space<hbm>>
        %dma_wait3A_155 = arith.constant 0 : i32
        %dma_wait3A_156 = tpu.memref_slice %arg4[%dma_wait3A_151, %dma_wait3A_155] : memref<2560x128xi32, #tpu.memory_space<hbm>> -> memref<1x128xi32, #tpu.memory_space<hbm>>
        %dma_wait3A_157 = tpu.memref_squeeze %dma_wait3A_156 : memref<1x128xi32, #tpu.memory_space<hbm>> -> memref<128xi32, #tpu.memory_space<hbm>>
        tpu.wait_dma2 semaphore(%arg16 : memref<!tpu.dma_semaphore, #tpu.memory_space<semaphore_mem>>) src(%dma_wait3A_157 : memref<128xi32, #tpu.memory_space<hbm>>) dst(%arg9 : memref<128xi32, #tpu.memory_space<vmem>>)
        %dma_start3A_158 = arith.constant 0 : i32
        %dma_start3A_159 = arith.constant 0 : i32
        %dma_start3A_160 = arith.constant 0 : i32
        %dma_start3A_161 = tpu.memref_slice %arg11[%dma_start3A_158, %dma_start3A_159, %dma_start3A_160] : memref<2x128x128xf32, #tpu.memory_space<vmem>> -> memref<1x128x128xf32, #tpu.memory_space<vmem>>
        %dma_start3A_162 = tpu.memref_squeeze %dma_start3A_161 : memref<1x128x128xf32, #tpu.memory_space<vmem>> -> memref<128x128xf32, #tpu.memory_space<vmem>>
        %dma_start3A_163 = arith.constant 0 : i32
        %dma_start3A_164 = arith.constant 0 : i32
        %dma_start3A_165 = tpu.memref_slice %arg2[%dma_start3A_163, %dma_start3A_164] : memref<10000x128xf32, #tpu.memory_space<hbm>> -> memref<10000x128xf32, #tpu.memory_space<hbm>>
        tpu.enqueue_indirect_dma source(%dma_start3A_165 : memref<10000x128xf32, #tpu.memory_space<hbm>>) target(%dma_start3A_162 : memref<128x128xf32, #tpu.memory_space<vmem>>) offsets(%arg7 : memref<128xi32, #tpu.memory_space<vmem>>) semaphore(%arg18 : memref<!tpu.dma_semaphore, #tpu.memory_space<semaphore_mem>>)
      } else {
      }
      %dma_wait3A_128 = arith.constant 1 : i32
      %dma_wait3A_129 = arith.constant 0 : i32
      %dma_wait3A_130 = arith.constant 0 : i32
      %dma_wait3A_131 = tpu.memref_slice %arg11[%dma_wait3A_128, %dma_wait3A_129, %dma_wait3A_130] : memref<2x128x128xf32, #tpu.memory_space<vmem>> -> memref<1x128x128xf32, #tpu.memory_space<vmem>>
      %dma_wait3A_132 = tpu.memref_squeeze %dma_wait3A_131 : memref<1x128x128xf32, #tpu.memory_space<vmem>> -> memref<128x128xf32, #tpu.memory_space<vmem>>
      %dma_wait3A_133 = arith.constant 0 : i32
      %dma_wait3A_134 = arith.constant 0 : i32
      %dma_wait3A_135 = tpu.memref_slice %arg2[%dma_wait3A_133, %dma_wait3A_134] : memref<10000x128xf32, #tpu.memory_space<hbm>> -> memref<10000x128xf32, #tpu.memory_space<hbm>>
      tpu.wait_indirect_dma semaphore(%arg19 : memref<!tpu.dma_semaphore, #tpu.memory_space<semaphore_mem>>) src(%dma_wait3A_135 : memref<10000x128xf32, #tpu.memory_space<hbm>>) dst(%dma_wait3A_132 : memref<128x128xf32, #tpu.memory_space<vmem>>)
      %run_scoped3A_136 = arith.constant 1 : i32
      "tpu.region"() ({
        %run_scoped3A_144 = tpu.sem_alloc : memref<!tpu.dma_semaphore, #tpu.memory_space<semaphore_mem>>
        %dma_start3A_145 = arith.constant 0 : i32
        %dma_start3A_146 = arith.constant 0 : i32
        %dma_start3A_147 = tpu.memref_slice %arg11[%run_scoped3A_136, %dma_start3A_145, %dma_start3A_146] : memref<2x128x128xf32, #tpu.memory_space<vmem>> -> memref<1x128x128xf32, #tpu.memory_space<vmem>>
        %dma_start3A_148 = tpu.memref_squeeze %dma_start3A_147 : memref<1x128x128xf32, #tpu.memory_space<vmem>> -> memref<128x128xf32, #tpu.memory_space<vmem>>
        %dma_start3A_149 = arith.constant 0 : i32
        %dma_start3A_150 = arith.constant 0 : i32
        %dma_start3A_151 = tpu.memref_slice %arg14[%dma_start3A_149, %dma_start3A_150] : memref<10240x128xf32, #tpu.memory_space<vmem_shared>> -> memref<10240x128xf32, #tpu.memory_space<vmem_shared>>
        tpu.enqueue_indirect_dma source(%dma_start3A_148 : memref<128x128xf32, #tpu.memory_space<vmem>>) target(%dma_start3A_151 : memref<10240x128xf32, #tpu.memory_space<vmem_shared>>) offsets(%arg10 : memref<128xi32, #tpu.memory_space<vmem>>) semaphore(%run_scoped3A_144 : memref<!tpu.dma_semaphore, #tpu.memory_space<semaphore_mem>>) {add = true}
        %dma_wait3A_152 = arith.constant 0 : i32
        %dma_wait3A_153 = arith.constant 0 : i32
        %dma_wait3A_154 = tpu.memref_slice %arg11[%run_scoped3A_136, %dma_wait3A_152, %dma_wait3A_153] : memref<2x128x128xf32, #tpu.memory_space<vmem>> -> memref<1x128x128xf32, #tpu.memory_space<vmem>>
        %dma_wait3A_155 = tpu.memref_squeeze %dma_wait3A_154 : memref<1x128x128xf32, #tpu.memory_space<vmem>> -> memref<128x128xf32, #tpu.memory_space<vmem>>
        %dma_wait3A_156 = arith.constant 0 : i32
        %dma_wait3A_157 = arith.constant 0 : i32
        %dma_wait3A_158 = tpu.memref_slice %arg14[%dma_wait3A_156, %dma_wait3A_157] : memref<10240x128xf32, #tpu.memory_space<vmem_shared>> -> memref<10240x128xf32, #tpu.memory_space<vmem_shared>>
        tpu.wait_indirect_dma semaphore(%run_scoped3A_144 : memref<!tpu.dma_semaphore, #tpu.memory_space<semaphore_mem>>) src(%dma_wait3A_155 : memref<128x128xf32, #tpu.memory_space<vmem>>) dst(%dma_wait3A_158 : memref<10240x128xf32, #tpu.memory_space<vmem_shared>>)
        tpu.yield
      }) : () -> ()
      "tpu.region"() ({
        %run_scoped3A_144 = tpu.sem_alloc : memref<!tpu.dma_semaphore, #tpu.memory_space<semaphore_mem>>
        %dma_start3A_145 = arith.constant 0 : i32
        %dma_start3A_146 = tpu.memref_slice %arg15[%dma_start3A_145] : memref<10240xf32, #tpu.memory_space<vmem_shared>> -> memref<10240xf32, #tpu.memory_space<vmem_shared>>
        tpu.enqueue_indirect_dma source(%arg12 : memref<128xf32, #tpu.memory_space<vmem>>) target(%dma_start3A_146 : memref<10240xf32, #tpu.memory_space<vmem_shared>>) offsets(%arg10 : memref<128xi32, #tpu.memory_space<vmem>>) semaphore(%run_scoped3A_144 : memref<!tpu.dma_semaphore, #tpu.memory_space<semaphore_mem>>) {add = true}
        %dma_wait3A_147 = arith.constant 0 : i32
        %dma_wait3A_148 = tpu.memref_slice %arg15[%dma_wait3A_147] : memref<10240xf32, #tpu.memory_space<vmem_shared>> -> memref<10240xf32, #tpu.memory_space<vmem_shared>>
        tpu.wait_indirect_dma semaphore(%run_scoped3A_144 : memref<!tpu.dma_semaphore, #tpu.memory_space<semaphore_mem>>) src(%arg12 : memref<128xf32, #tpu.memory_space<vmem>>) dst(%dma_wait3A_148 : memref<10240xf32, #tpu.memory_space<vmem_shared>>)
        tpu.yield
      }) : () -> ()
      %add3A_137 = arith.constant 2 : i32
      %add3A_138 = arith.addi %add3A_120, %add3A_137 : i32
      %lt3A_139 = arith.constant 80 : i32
      %lt3A_140 = arith.cmpi slt, %add3A_138, %lt3A_139 : i32
      %convert_element_type3A_141 = arith.extui %lt3A_140 : i1 to i32
      %cond3A_142 = arith.constant 0 : i32
      %cond3A_143 = arith.cmpi ne, %convert_element_type3A_141, %cond3A_142 : i32
      scf.if %cond3A_143 {
        %add3A_144 = arith.constant 2 : i32
        %add3A_145 = arith.addi %add3A_120, %add3A_144 : i32
        %mul3A_146 = arith.constant 32 : i32
        %mul3A_147 = arith.muli %add3A_145, %mul3A_146 : i32
        %add3A_148 = arith.addi %mul3A_147, %add3A : i32
        %dma_start3A_149 = arith.constant 0 : i32
        %dma_start3A_150 = tpu.memref_slice %arg3[%add3A_148, %dma_start3A_149] : memref<2560x128xi32, #tpu.memory_space<hbm>> -> memref<1x128xi32, #tpu.memory_space<hbm>>
        %dma_start3A_151 = tpu.memref_squeeze %dma_start3A_150 : memref<1x128xi32, #tpu.memory_space<hbm>> -> memref<128xi32, #tpu.memory_space<hbm>>
        %dma_start3A_152 = arith.constant 0 : i32
        %dma_start3A_153 = tpu.memref_slice %arg3[%add3A_148, %dma_start3A_152] : memref<2560x128xi32, #tpu.memory_space<hbm>> -> memref<1x128xi32, #tpu.memory_space<hbm>>
        %dma_start3A_154 = tpu.memref_squeeze %dma_start3A_153 : memref<1x128xi32, #tpu.memory_space<hbm>> -> memref<128xi32, #tpu.memory_space<hbm>>
        tpu.enqueue_dma source(%dma_start3A_154 : memref<128xi32, #tpu.memory_space<hbm>>) target(%arg8 : memref<128xi32, #tpu.memory_space<vmem>>) target_semaphore(%arg17 : memref<!tpu.dma_semaphore, #tpu.memory_space<semaphore_mem>>)
        %dma_start3A_155 = arith.constant 0 : i32
        %dma_start3A_156 = tpu.memref_slice %arg4[%add3A_148, %dma_start3A_155] : memref<2560x128xi32, #tpu.memory_space<hbm>> -> memref<1x128xi32, #tpu.memory_space<hbm>>
        %dma_start3A_157 = tpu.memref_squeeze %dma_start3A_156 : memref<1x128xi32, #tpu.memory_space<hbm>> -> memref<128xi32, #tpu.memory_space<hbm>>
        %dma_start3A_158 = arith.constant 0 : i32
        %dma_start3A_159 = tpu.memref_slice %arg4[%add3A_148, %dma_start3A_158] : memref<2560x128xi32, #tpu.memory_space<hbm>> -> memref<1x128xi32, #tpu.memory_space<hbm>>
        %dma_start3A_160 = tpu.memref_squeeze %dma_start3A_159 : memref<1x128xi32, #tpu.memory_space<hbm>> -> memref<128xi32, #tpu.memory_space<hbm>>
        tpu.enqueue_dma source(%dma_start3A_160 : memref<128xi32, #tpu.memory_space<hbm>>) target(%arg10 : memref<128xi32, #tpu.memory_space<vmem>>) target_semaphore(%arg17 : memref<!tpu.dma_semaphore, #tpu.memory_space<semaphore_mem>>)
      } else {
      }
    }
    %scan3A_90 = arith.constant 40 : i32
    %barrier3A_91 = arith.constant 0 : index
    tpu.barrier barrier_id(%barrier3A_91)
    "tpu.region"() ({
      %run_scoped3A_92 = tpu.sem_alloc : memref<!tpu.dma_semaphore, #tpu.memory_space<semaphore_mem>>
      %dma_start3A_93 = arith.constant 0 : i32
      %dma_start3A_94 = tpu.memref_slice %arg5[%arg0, %multiple_of3A, %dma_start3A_93] : memref<2x10240x128xf32, #tpu.memory_space<hbm>> -> memref<1x640x128xf32, #tpu.memory_space<hbm>>
      %dma_start3A_95 = tpu.memref_squeeze %dma_start3A_94 : memref<1x640x128xf32, #tpu.memory_space<hbm>> -> memref<640x128xf32, #tpu.memory_space<hbm>>
      %dma_start3A_96 = arith.constant 0 : i32
      %dma_start3A_97 = tpu.memref_slice %arg14[%multiple_of3A, %dma_start3A_96] : memref<10240x128xf32, #tpu.memory_space<vmem_shared>> -> memref<640x128xf32, #tpu.memory_space<vmem_shared>>
      tpu.enqueue_dma source(%dma_start3A_97 : memref<640x128xf32, #tpu.memory_space<vmem_shared>>) target(%dma_start3A_95 : memref<640x128xf32, #tpu.memory_space<hbm>>) target_semaphore(%run_scoped3A_92 : memref<!tpu.dma_semaphore, #tpu.memory_space<semaphore_mem>>)
      %dma_wait3A_98 = arith.constant 0 : i32
      %dma_wait3A_99 = tpu.memref_slice %arg5[%arg0, %multiple_of3A, %dma_wait3A_98] : memref<2x10240x128xf32, #tpu.memory_space<hbm>> -> memref<1x640x128xf32, #tpu.memory_space<hbm>>
      %dma_wait3A_100 = tpu.memref_squeeze %dma_wait3A_99 : memref<1x640x128xf32, #tpu.memory_space<hbm>> -> memref<640x128xf32, #tpu.memory_space<hbm>>
      %dma_wait3A_101 = arith.constant 0 : i32
      %dma_wait3A_102 = tpu.memref_slice %arg14[%multiple_of3A, %dma_wait3A_101] : memref<10240x128xf32, #tpu.memory_space<vmem_shared>> -> memref<640x128xf32, #tpu.memory_space<vmem_shared>>
      tpu.wait_dma2 semaphore(%run_scoped3A_92 : memref<!tpu.dma_semaphore, #tpu.memory_space<semaphore_mem>>) src(%dma_wait3A_102 : memref<640x128xf32, #tpu.memory_space<vmem_shared>>) dst(%dma_wait3A_100 : memref<640x128xf32, #tpu.memory_space<hbm>>)
      tpu.yield
    }) : () -> ()
    "tpu.region"() ({
      %run_scoped3A_92 = tpu.sem_alloc : memref<!tpu.dma_semaphore, #tpu.memory_space<semaphore_mem>>
      %dma_start3A_93 = tpu.memref_slice %arg6[%arg0, %multiple_of3A] : memref<2x10240xf32, #tpu.memory_space<hbm>> -> memref<1x640xf32, #tpu.memory_space<hbm>>
      %dma_start3A_94 = tpu.memref_squeeze %dma_start3A_93 : memref<1x640xf32, #tpu.memory_space<hbm>> -> memref<640xf32, #tpu.memory_space<hbm>>
      %dma_start3A_95 = tpu.memref_slice %arg15[%multiple_of3A] : memref<10240xf32, #tpu.memory_space<vmem_shared>> -> memref<640xf32, #tpu.memory_space<vmem_shared>>
      tpu.enqueue_dma source(%dma_start3A_95 : memref<640xf32, #tpu.memory_space<vmem_shared>>) target(%dma_start3A_94 : memref<640xf32, #tpu.memory_space<hbm>>) target_semaphore(%run_scoped3A_92 : memref<!tpu.dma_semaphore, #tpu.memory_space<semaphore_mem>>)
      %dma_wait3A_96 = tpu.memref_slice %arg6[%arg0, %multiple_of3A] : memref<2x10240xf32, #tpu.memory_space<hbm>> -> memref<1x640xf32, #tpu.memory_space<hbm>>
      %dma_wait3A_97 = tpu.memref_squeeze %dma_wait3A_96 : memref<1x640xf32, #tpu.memory_space<hbm>> -> memref<640xf32, #tpu.memory_space<hbm>>
      %dma_wait3A_98 = tpu.memref_slice %arg15[%multiple_of3A] : memref<10240xf32, #tpu.memory_space<vmem_shared>> -> memref<640xf32, #tpu.memory_space<vmem_shared>>
      tpu.wait_dma2 semaphore(%run_scoped3A_92 : memref<!tpu.dma_semaphore, #tpu.memory_space<semaphore_mem>>) src(%dma_wait3A_98 : memref<640xf32, #tpu.memory_space<vmem_shared>>) dst(%dma_wait3A_97 : memref<640xf32, #tpu.memory_space<hbm>>)
      tpu.yield
    }) : () -> ()
    return
  }
}

module attributes {stable_mosaic.version = 14 : i64} {
  func.func @_tc_body(%arg0: i32, %arg1: memref<512x128xf32, #tpu.memory_space<vmem>>, %arg2: memref<2x512x128xf32, #tpu.memory_space<vmem>>, %arg3: memref<2x512xf32, #tpu.memory_space<vmem>>, %arg4: memref<128x128xf32, #tpu.memory_space<vmem>>, %arg5: memref<128x128xf32, #tpu.memory_space<vmem>>, %arg6: memref<1x128xf32, #tpu.memory_space<vmem>>, %arg7: memref<512x128xf32, #tpu.memory_space<vmem>>) attributes {dimension_semantics = [#tpu.dimension_semantics<arbitrary>], iteration_bounds = array<i64: 20>, scalar_prefetch = 0 : i64, scratch_operands = 0 : i64, tpu.core_type = #tpu.core_type<tc>, window_params = [{transform_indices = @transform_0, window_bounds = array<i64: 512, 128>}, {transform_indices = @transform_1, window_bounds = array<i64: 2, 512, 128>}, {transform_indices = @transform_2, window_bounds = array<i64: 2, 512>}, {pipeline_mode = #tpu.pipeline_mode<synchronous>, transform_indices = @transform_3, window_bounds = array<i64: 128, 128>}, {pipeline_mode = #tpu.pipeline_mode<synchronous>, transform_indices = @transform_4, window_bounds = array<i64: 128, 128>}, {pipeline_mode = #tpu.pipeline_mode<synchronous>, transform_indices = @transform_5, window_bounds = array<i64: 1, 128>}, {transform_indices = @transform_6, window_bounds = array<i64: 512, 128>}]} {
    %get3A = arith.constant 0 : index
    %get3A_0 = arith.constant 0 : index
    %get3A_1 = vector.load %arg1[%get3A, %get3A_0] : memref<512x128xf32, #tpu.memory_space<vmem>>, vector<512x128xf32>
    %get3A_2 = arith.constant 0 : index
    %get3A_3 = arith.constant 0 : index
    %get3A_4 = arith.constant 0 : index
    %get3A_5 = vector.load %arg2[%get3A_2, %get3A_3, %get3A_4] : memref<2x512x128xf32, #tpu.memory_space<vmem>>, vector<1x512x128xf32>
    %get3A_6 = vector.shape_cast %get3A_5 : vector<1x512x128xf32> to vector<512x128xf32>
    %get3A_7 = arith.constant 1 : index
    %get3A_8 = arith.constant 0 : index
    %get3A_9 = arith.constant 0 : index
    %get3A_10 = vector.load %arg2[%get3A_7, %get3A_8, %get3A_9] : memref<2x512x128xf32, #tpu.memory_space<vmem>>, vector<1x512x128xf32>
    %get3A_11 = vector.shape_cast %get3A_10 : vector<1x512x128xf32> to vector<512x128xf32>
    %add3A = arith.addf %get3A_6, %get3A_11 : vector<512x128xf32>
    %get3A_12 = arith.constant 0 : index
    %get3A_13 = arith.constant 0 : index
    %get3A_14 = vector.load %arg3[%get3A_12, %get3A_13] : memref<2x512xf32, #tpu.memory_space<vmem>>, vector<1x512xf32>
    %get3A_15 = vector.shape_cast %get3A_14 : vector<1x512xf32> to vector<512xf32>
    %get3A_16 = arith.constant 1 : index
    %get3A_17 = arith.constant 0 : index
    %get3A_18 = vector.load %arg3[%get3A_16, %get3A_17] : memref<2x512xf32, #tpu.memory_space<vmem>>, vector<1x512xf32>
    %get3A_19 = vector.shape_cast %get3A_18 : vector<1x512xf32> to vector<512xf32>
    %add3A_20 = arith.addf %get3A_15, %get3A_19 : vector<512xf32>
    %max3A = arith.constant 1.000000e+00 : f32
    %max3A_21 = vector.broadcast %max3A : f32 to vector<512xf32>
    %max3A_22 = arith.maximumf %add3A_20, %max3A_21 : vector<512xf32>
    %broadcast_in_dim3A = vector.shape_cast %max3A_22 : vector<512xf32> to vector<512x1xf32>
    %div3A = vector.broadcast %broadcast_in_dim3A : vector<512x1xf32> to vector<512x128xf32>
    %div3A_23 = arith.divf %add3A, %div3A : vector<512x128xf32>
    %get3A_24 = arith.constant 0 : index
    %get3A_25 = arith.constant 0 : index
    %get3A_26 = vector.load %arg4[%get3A_24, %get3A_25] : memref<128x128xf32, #tpu.memory_space<vmem>>, vector<128x128xf32>
    %dot_general3A = arith.constant dense<0.000000e+00> : vector<512x128xf32>
    %dot_general3A_27 = tpu.matmul %div3A_23, %get3A_26, %dot_general3A {dimension_numbers = #tpu.dot_dimension_numbers<[1], [0], [0], [1], [0, 0, 1, 1], [], []>, transpose_lhs_hint = false} : vector<512x128xf32>, vector<128x128xf32>, vector<512x128xf32> -> vector<512x128xf32>
    %get3A_28 = arith.constant 0 : index
    %get3A_29 = arith.constant 0 : index
    %get3A_30 = vector.load %arg5[%get3A_28, %get3A_29] : memref<128x128xf32, #tpu.memory_space<vmem>>, vector<128x128xf32>
    %dot_general3A_31 = arith.constant dense<0.000000e+00> : vector<512x128xf32>
    %dot_general3A_32 = tpu.matmul %get3A_1, %get3A_30, %dot_general3A_31 {dimension_numbers = #tpu.dot_dimension_numbers<[1], [0], [0], [1], [0, 0, 1, 1], [], []>, transpose_lhs_hint = false} : vector<512x128xf32>, vector<128x128xf32>, vector<512x128xf32> -> vector<512x128xf32>
    %add3A_33 = arith.addf %dot_general3A_27, %dot_general3A_32 : vector<512x128xf32>
    %get3A_34 = arith.constant 0 : index
    %get3A_35 = arith.constant 0 : index
    %get3A_36 = vector.load %arg6[%get3A_34, %get3A_35] : memref<1x128xf32, #tpu.memory_space<vmem>>, vector<1x128xf32>
    %add3A_37 = vector.broadcast %get3A_36 : vector<1x128xf32> to vector<512x128xf32>
    %add3A_38 = arith.addf %add3A_33, %add3A_37 : vector<512x128xf32>
    %add3A_39 = arith.addf %get3A_1, %add3A_38 : vector<512x128xf32>
    %swap3A = arith.constant 0 : index
    %swap3A_40 = arith.constant 0 : index
    %swap3A_41 = vector.load %arg7[%swap3A, %swap3A_40] : memref<512x128xf32, #tpu.memory_space<vmem>>, vector<512x128xf32>
    tpu.vector_store %arg7[%swap3A, %swap3A_40], %add3A_39 {strides = array<i32>} : memref<512x128xf32, #tpu.memory_space<vmem>>, vector<512x128xf32>,
    return
  }
  func.func @transform_0(%arg0: i32) -> (i32, i32) {
    %c0_i32 = arith.constant 0 : i32
    %c0_i32_0 = arith.constant 0 : i32
    return %arg0, %c0_i32 : i32, i32
  }
  func.func @transform_1(%arg0: i32) -> (i32, i32, i32) {
    %c0_i32 = arith.constant 0 : i32
    %c0_i32_0 = arith.constant 0 : i32
    %c0_i32_1 = arith.constant 0 : i32
    return %c0_i32, %arg0, %c0_i32_0 : i32, i32, i32
  }
  func.func @transform_2(%arg0: i32) -> (i32, i32) {
    %c0_i32 = arith.constant 0 : i32
    %c0_i32_0 = arith.constant 0 : i32
    return %c0_i32, %arg0 : i32, i32
  }
  func.func @transform_3(%arg0: i32) -> (i32, i32) {
    %c0_i32 = arith.constant 0 : i32
    %c0_i32_0 = arith.constant 0 : i32
    %c0_i32_1 = arith.constant 0 : i32
    return %c0_i32, %c0_i32_0 : i32, i32
  }
  func.func @transform_4(%arg0: i32) -> (i32, i32) {
    %c0_i32 = arith.constant 0 : i32
    %c0_i32_0 = arith.constant 0 : i32
    %c0_i32_1 = arith.constant 0 : i32
    return %c0_i32, %c0_i32_0 : i32, i32
  }
  func.func @transform_5(%arg0: i32) -> (i32, i32) {
    %c0_i32 = arith.constant 0 : i32
    %c0_i32_0 = arith.constant 0 : i32
    %c0_i32_1 = arith.constant 0 : i32
    return %c0_i32, %c0_i32_0 : i32, i32
  }
  func.func @transform_6(%arg0: i32) -> (i32, i32) {
    %c0_i32 = arith.constant 0 : i32
    %c0_i32_0 = arith.constant 0 : i32
    return %arg0, %c0_i32 : i32, i32
  }
}

</mosaic_0001>

<sc_bundles>
// kernel: kernel.4.cloned.1.call-start
scs
__scs_entry_jumppad:
0x0: {  	(pc) =	sbr.rel $0x88, $3  }
0x1: {  	(tag) =	ssettag $0x0;
	lr =	simm.s32 $0x1  }
0x2: {  	[smem:$0x3F9C] =	sst lr;
	_ =	strace $0xD0000000  }
0x3: {  	_ = 	snop  }
0x4: {  	_ = 	snop  }
0x5: {  	_ = 	snop  }
0x6: {  	_ = 	snop  }
0x7: {  	_ = 	snop  }
__scs_overlays_trampoline_lowered:
0x8: {  	[smem:$0x3FAB] =	sst s0  }
0x9: {  	[smem:$0x3FAC] =	sst s1  }
0xa: {  	[smem:$0x3FAD] =	sst s2  }
0xb: {  	[smem:$0x3FAE] =	sst s3  }
0xc: {  	[smem:$0x3FAF] =	sst s4  }
0xd: {  	[smem:$0x3FB0] =	sst s5  }
0xe: {  	[smem:$0x3FB1] =	sst s6  }
0xf: {  	[smem:$0x3FB2] =	sst s7  }
0x10: {  	[smem:$0x3FB3] =	sst s8  }
0x11: {  	[smem:$0x3FB4] =	sst s9;
	s0 =	simm.s32 @!p0 $0x0  }
0x12: {  	s1 =	sld [smem:$0x3F9A];
	s0 =	simm.s32 @p0 $0x1  }
0x13: {  	[smem:$0x3FB5] =	sst s0;
	s0 =	simm.s32 @!p1 $0x0  }
0x14: {  	s2 =	sld [smem:$0x3F99];
	s0 =	simm.s32 @p1 $0x1  }
0x15: {  	[smem:$0x3FB6] =	sst s0;
	s0 =	simm.s32 @!p2 $0x0  }
0x16: {  	s3 =	sld [smem:$0x3FDB];
	s0 =	simm.s32 @p2 $0x1  }
0x17: {  	s4 =	simm.s32 $0x1BF5;
	[smem:$0x3FB8] =	sst s0  }
0x18: {  	s0 =	sld [smem:$0x3F9B];
	_ =	swait.ge [sflag:s4], $0x0  }
0x19: {  	s7 =	sld [smem:$0x3F9C]  }
0x1a: {  	s8 =	sadd.s32 $0xFFFFE003, lr  }
0x1b: {  	s9 =	sadd.s32 $0xFFFFFEF7, lr;
	s5 =	simm.s32 $0xFFFFFFFF;
	p2 =	slt.u32 s8, $0xFFFFF086  }
0x1c: {  	p1 =	slt.u32 s9, $0xF7A;
	s5 =	simm.s32 @!p2 $0x0  }
0x1d: {  	s5 =	simm.s32 @p1 $0x1;
	p0 =	seq.s32 s7, s2  }
0x1e: {  	s7 =	smul.u32 @!p0 $0xF7A, s2;
	p2 =	seq.s32 @!p0 s5, $0x0  }
0x1f: {  	s9 =	smul.u32 $0xF7A, s1;
	s8 =	simm.s32 @!p0 $0x1BF5;
	p2 =	por !p2, p0  }
0x20: {  	[sflag:s8] =	ssyncset.s32 @!p0 $0xFFFFF086;
	s6 =	sadd.s32 @!p0 s3, s7;
	s7 =	simm.s32 @!p0 $0x108  }
0x21: {  	s3 =	sadd.s32 s3, s9;
	s6 =	sadd.s32 @!p0 $0x88, s6;
	s7 =	simm.s32 @p2 $0x1082  }
0x22: {  	[simem:s7], [sflag:s8] =	dma.local @!p0 [hbm:s6], $0xF7A  }
0x23: {  	s9 =	sor.u32 $0xD0000000, s2;
	s6 =	simm.s32 $0x108;
	_ =	swait.ge @!p0 [sflag:s8], $0x0  }
0x24: {  	s3 =	sadd.s32 $0x88, s3;
	s6 =	simm.s32 @!p1 $0x1082;
	[sflag:s4] =	ssyncset.s32 $0xFFFFF086  }
0x25: {  	[simem:s6], [sflag:s4] =	dma.local [hbm:s3], $0xF7A  }
0x26: {  	[smem:$0x3F9C] =	sst s1;
	(tag) =	ssettag s2;
	_ =	strace s9  }
0x27: {  	s1 =	sld [smem:$0x3FAC]  }
0x28: {  	s2 =	sld [smem:$0x3FAD]  }
0x29: {  	s4 =	sld [smem:$0x3FAF]  }
0x2a: {  	p0 =	seq.s32 s5, $0x0;
	s5 =	sld [smem:$0x3FB0]  }
0x2b: {  	s6 =	sld [smem:$0x3FB1]  }
0x2c: {  	s7 =	sld [smem:$0x3FB2]  }
0x2d: {  	s3 =	simm.s32 $0x108;
	s8 =	sld [smem:$0x3FB3]  }
0x2e: {  	s3 =	simm.s32 @!p0 $0x1082;
	s9 =	sld [smem:$0x3FB4]  }
0x2f: {  	lr =	sadd.s32 s0, s3;
	s0 =	sld [smem:$0x3FAB]  }
0x30: {  	s3 =	sld [smem:$0x3FAE]  }
0x31: {  	[smem:$0x3FB7] =	sst s10  }
0x32: {  	s10 =	sld [smem:$0x3FB5];
	_ =	sdelay $0x3  }
0x33: {  	p0 =	seq.s32 s10, $0x1;
	s10 =	sld [smem:$0x3FB7];
	_ =	sdelay $0x3  }
0x34: {  	[smem:$0x3FB7] =	sst s10  }
0x35: {  	s10 =	sld [smem:$0x3FB6];
	_ =	sdelay $0x3  }
0x36: {  	p1 =	seq.s32 s10, $0x1;
	s10 =	sld [smem:$0x3FB7];
	_ =	sdelay $0x3  }
0x37: {  	[smem:$0x3FB7] =	sst s10  }
0x38: {  	s10 =	sld [smem:$0x3FB8]  }
0x39: {  	_ = 	snop;
	(pc) =	sbr.ind lr, $3  }
0x3a: {  	_ = 	snop  }
0x3b: {  	_ = 	snop  }
0x3c: {  	p2 =	seq.s32 s10, $0x1;
	s10 =	sld [smem:$0x3FB7]  }
0x3d: {  	_ =	shalt  }
0x3e: {  	_ =	shalt  }
0x3f: {  	_ =	shalt  }
0x40: {  	_ =	shalt  }
0x41: {  	_ =	shalt  }
0x42: {  	_ =	shalt  }
0x43: {  	_ =	shalt  }
0x44: {  	_ =	shalt  }
0x45: {  	_ =	shalt  }
0x46: {  	_ =	shalt  }
0x47: {  	_ =	shalt  }
0x48: {  	_ =	shalt  }
0x49: {  	_ =	shalt  }
0x4a: {  	_ =	shalt  }
0x4b: {  	_ =	shalt  }
0x4c: {  	_ =	shalt  }
0x4d: {  	_ =	shalt  }
0x4e: {  	_ =	shalt  }
0x4f: {  	_ =	shalt  }
0x50: {  	_ =	shalt  }
0x51: {  	_ =	shalt  }
0x52: {  	_ =	shalt  }
0x53: {  	_ =	shalt  }
0x54: {  	_ =	shalt  }
0x55: {  	_ =	shalt  }
0x56: {  	_ =	shalt  }
0x57: {  	_ =	shalt  }
0x58: {  	_ =	shalt  }
0x59: {  	_ =	shalt  }
0x5a: {  	_ =	shalt  }
0x5b: {  	_ =	shalt  }
0x5c: {  	_ =	shalt  }
0x5d: {  	_ =	shalt  }
0x5e: {  	_ =	shalt  }
0x5f: {  	_ =	shalt  }
0x60: {  	_ =	shalt  }
0x61: {  	_ =	shalt  }
0x62: {  	_ =	shalt  }
0x63: {  	_ =	shalt  }
0x64: {  	_ =	shalt  }
0x65: {  	_ =	shalt  }
0x66: {  	_ =	shalt  }
0x67: {  	_ =	shalt  }
0x68: {  	_ =	shalt  }
0x69: {  	_ =	shalt  }
0x6a: {  	_ =	shalt  }
0x6b: {  	_ =	shalt  }
0x6c: {  	_ =	shalt  }
0x6d: {  	_ =	shalt  }
0x6e: {  	_ =	shalt  }
0x6f: {  	_ =	shalt  }
0x70: {  	_ =	shalt  }
0x71: {  	_ =	shalt  }
0x72: {  	_ =	shalt  }
0x73: {  	_ =	shalt  }
0x74: {  	_ =	shalt  }
0x75: {  	_ =	shalt  }
0x76: {  	_ =	shalt  }
0x77: {  	_ =	shalt  }
0x78: {  	_ =	shalt  }
0x79: {  	_ =	shalt  }
0x7a: {  	_ =	shalt  }
0x7b: {  	_ =	shalt  }
0x7c: {  	_ =	shalt  }
0x7d: {  	_ =	shalt  }
0x7e: {  	_ =	shalt  }
0x7f: {  	_ =	shalt  }
0x80: {  	_ =	shalt  }
0x81: {  	_ =	shalt  }
0x82: {  	_ =	shalt  }
0x83: {  	_ =	shalt  }
0x84: {  	_ =	shalt  }
0x85: {  	_ =	shalt  }
0x86: {  	_ =	shalt  }
0x87: {  	_ =	shalt  }
.Lfunc_end0:
.L_simem_size_0:
called_computation_lowered:
.L_overlay_start_0:
0x88: {  	s2 =	sld [smem:$0x3FD9]  }
0x89: {  	s3 =	sld [smem:$0x3FFE];
	_ =	sdelay $0x1  }
0x8a: {  	s1 =	srdreg.scid  }
0x8b: {  	s0 =	sand.u32 $0x1, s1  }
0x8c: {  	s17 =	sshll.u32 s0, $0xA;
	s2 =	sadd.s32 s3, s2  }
0x8d: {  	s2 =	sadd.s32 s2, s17  }
0x8e: {  	[smem:$0x3FC3] =	sst s2  }
0x8f: {  	_ = 	snop  }
0x90: {  	s2 =	sld [smem:$0x3FC9]  }
0x91: {  	s18 =	sld [smem:$0x3FD0];
	(tm) =	ssettm $0x1  }
0x92: {  	s4 =	sld [smem:$0x3FFB];
	_ =	sdelay $0x3  }
0x93: {  	_ =	strace s4  }
0x94: {  	s4 =	sld [smem:$0x3FFC];
	_ =	sdelay $0x3  }
0x95: {  	_ =	strace s4  }
0x96: {  	s4 =	sld [smem:$0x3FFD];
	_ =	sdelay $0x3  }
0x97: {  	_ =	strace s4  }
0x98: {  	_ =	strace $0x8FFFFFFF  }
0x99: {  	s19 =	sld [smem:$0x3FDB];
	_ =	sdelay $0x1  }
0x9a: {  	s5 =	simm.s32 $_scs_section_size  }
0x9b: {  	s6 =	simm.s32 $_size__tile_overlayer_lowered;
	s7 =	simm.s32 $_tile_overlayer_lowered  }
0x9c: {  	s22 =	simm.s32 $0x1BFF;
	s21 =	sshll.u32 s7, $0x1;
	s4 =	sadd.s32 s5, s19  }
0x9d: {  	s8 =	simm.s32 $0x0;
	s20 =	sshll.u32 s6, $0x1;
	s6 =	sadd.s32 s21, s4  }
0x9e: {  	[timem:s8], [sflag:s22] =	dma.local [hbm:s6], s20  }
0x9f: {  	_ =	swait.ge [sflag:s22], s20  }
0xa0: {  	s5 =	ssub.s32 $0x0, s20;
	[sflag:s22] =	ssyncset.done $0x0  }
0xa1: {  	[sflag:s22] =	ssyncadd.s32 s5;
	_ =	sdelay $0x1  }
0xa2: {  	s23 =	simm.s32 $0x1B8B  }
0xa3: {  	_ =	swait.ge [sflag:s23], $0x1  }
0xa4: {  	[sflag:s23] =	ssyncset.done $0x0  }
0xa5: {  	s25 =	simm.s32 $0x1B8E;
	s24 =	sld [smem:$0x3FFE];
	[sflag:s23] =	ssyncadd.s32 $0xFFFFFFFF  }
0xa6: {  	s26 =	simm.s32 $execute0_lowered;
	[smem:$0x3FD2] =	sst s25  }
0xa7: {  	s6 =	sshll.u32 s26, $0x1;
	_ =	strace $0x80000046;
	[dreg:$0x1] =	wrdreg $0xFFFFFFFF  }
0xa8: {  	s28 =	simm.s32 $_size_execute0_lowered;
	s4 =	sadd.s32 s4, s6;
	[dreg:$0x0] =	wrdreg $0x0  }
0xa9: {  	s6 =	sshll.u32 s28, $0x1;
	[dreg:$0x2] =	wrdreg s4  }
0xaa: {  	[dreg:$0x3] =	wrdreg s6  }
0xab: {  	[dreg:$0x4] =	wrdreg $0xC0  }
0xac: {  	_ =	task [dreg:s8], $0x5FFFF  }
0xad: {  	[dreg:$0x1] =	wrdreg $0xFFFFFFFF  }
0xae: {  	[dreg:$0x0] =	wrdreg $0x60  }
0xaf: {  	[dreg:$0x2] =	wrdreg s2  }
0xb0: {  	[dreg:$0x3] =	wrdreg s18  }
0xb1: {  	[dreg:$0x4] =	wrdreg s24  }
0xb2: {  	[dreg:$0x5] =	wrdreg $0x85000  }
0xb3: {  	[dreg:$0x6] =	wrdreg $0x1C5000  }
0xb4: {  	[dreg:$0x7] =	wrdreg $0x9  }
0xb5: {  	_ =	task.clear_ibuf [dreg:s8], $0x8FFFF;
	_ =	strace $0x90000046  }
0xb6: {  	s29 =	simm.s32 $0x9;
	_ =	strace $0x80000048  }
0xb7: {  	_ =	swait.ge [sflag:s29], $0x1  }
0xb8: {  	[sflag:s29] =	ssyncadd.s32 $0xFFFFFFFF  }
0xb9: {  	_ =	strace $0x90000048  }
0xba: {  	_ =	sfence  }
0xbb: {  	s30 =	sld [smem:$0x0];
	_ =	sdelay $0x2  }
0xbc: {  	s31 =	sshll.u32 s1, $0xD;
	s1 =	sshrl.u32 s1, $0x2  }
0xbd: {  	s3 =	sand.u32 $0x4000, s31;
	s1 =	sadd.s32 s1, s30  }
0xbe: {  	s0 =	sor.u32 s3, s0;
	s1 =	sshll.u32 s1, $0x11  }
0xbf: {  	s0 =	sor.u32 s1, s0  }
0xc0: {  	s0 =	sadd.s32 $0x8F2B, s0  }
0xc1: {  	[sflag:s0] =	ssyncadd.remote.s32 $0x1  }
0xc2: {  	_ =	sfence.sel $0xFFFF  }
0xc3: {  	[dreg:$0x0] =	wrdreg $0xFFFFFFFF;
	(pc) =	sbr.abs _section_cstart, $3  }
0xc4: {  	[dreg:$0x1] =	wrdreg $0xFFFFFFFF  }
0xc5: {  	_ =	task.clear_ibuf [dreg:s8], $0x2FFFF;
	_ =	strace $0x9FFFFFFF  }
0xc6: {  	(tm) =	ssettm $0x7FFFFFFF  }
0xc7: {  	_ =	shalt  }
tec
execute0_lowered:
.L_overlay_start_1:
0x0: {  	(tag) =	ssettag $0x1  }
0x1: {  	s1 =	rddreg [dreg:$0x0]  }
0x2: {  	s0 =	rddreg [dreg:$0x1]  }
0x3: {  	s4 =	rddreg [dreg:$0x2]  }
0x4: {  	s2 =	rddreg [dreg:$0x3]  }
0x5: {  	s3 =	rddreg [dreg:$0x4];
	s12 =	stileid.u32  }
0x6: {  	s5 =	srdreg.scid;
	s28 =	simm.s32 $0x1;
	s8 =	smul.u32 $0x14000, s12  }
0x7: {  	s29 =	simm.s32 $0x2;
	s30 =	simm.s32 $0x4200;
	s9 =	smul.u32 $0x500, s12  }
0x8: {  	s31 =	simm.s32 $0x3;
	s7 =	sand.u32 $0x1, s5;
	s19 =	smul.u32 $0x50000, s12  }
0x9: {  	s5 =	simm.s32 $0x0;
	s18 =	sadd.s32 $0x1400, s4;
	s10 =	smul.u32 $0xA00, s12  }
0xa: {  	s6 =	smul.u32 $0x140000, s7;
	[smem:$0x7FF] =	sst s5;
	s17 =	sshll.u32 s7, $0x7  }
0xb: {  	s21 =	ssub.s32 $0x2, s7;
	s7 =	sshll.u32 s7, $0x4;
	_ =	strace $0x80000047  }
0xc: {  	s22 =	sshrl.u32 s21, $0x1;
	s11 =	sshrl.u32 s10, $0x2;
	s6 =	sadd.s32 s8, s6  }
0xd: {  	s8 =	sor.u32 s17, s9;
	s9 =	sshrl.u32 s19, $0x2;
	s19 =	sshll.u32 s12, $0x5  }
0xe: {  	s11 =	sadd.s32 s11, s3;
	s6 =	sshrl.u32 s6, $0x3;
	s20 =	sshrl.u32 s8, $0x3  }
0xf: {  	s8 =	ssub.s32 s21, s22;
	s14 =	sor.u32 s7, s19;
	s26 =	sadd.s32 s19, s18  }
0x10: {  	s21 =	simm.s32 $0x200;
	s22 =	simm.s32 $0x5;
	s16 =	sadd.s32 s6, s4  }
0x11: {  	s4 =	sadd.s32 s20, s4;
	s6 =	sadd.s32 s9, s2;
	s12 =	sadd.s32 s0, s14  }
0x12: {  	s13 =	sadd.s32 s18, s14;
	s15 =	sor.u32 $0x200, s14;
	s20 =	sadd.s32 s7, s26  }
0x13: {  	s26 =	simm.s32 $0x180;
	s9 =	sadd.s32 $0x4000, s6;
	s23 =	sadd.s32 $0x8000, s6  }
0x14: {  	s24 =	sadd.s32 $0xC000, s6;
	s25 =	sadd.s32 $0x10000, s6;
	s14 =	sadd.s32 s0, s15  }
0x15: {  	s15 =	sadd.s32 s18, s15;
	s16 =	sadd.s32 $0xB400, s16;
	[dreg:$0x6] =	wrdreg s9  }
0x16: {  	s17 =	sadd.s32 $0x5B400, s4;
	s0 =	sadd.s32 s19, s0;
	[dreg:$0x7] =	wrdreg s23  }
0x17: {  	s18 =	smax.u32 s8, $0x1;
	s4 =	simm.s32 $0x0;
	[dreg:$0x8] =	wrdreg s24  }
0x18: {  	[dreg:$0x9] =	wrdreg s25;
	s19 =	sadd.s32 s7, s0;
	s24 =	simm.s32 $0x100  }
0x19: {  	v0 =	vimm.f32 $0.0e+00;
	v1 =	vimm.f32 $1.000000000e+00;
	s25 =	simm.s32 $0x80;
	s0 =	simm.s32 $0x8200;
	s23 =	simm.s32 $0x4  }
.LBB2_1:
0x1a: {  	s7 =	simm.s32 $0x0;
	s8 =	simm.s32 $0x200  }
.LBB2_2:
0x1b: {  	p0 =	sne.s32 s8, $0xFE00;
	[tilespmem:s7+$0x270] =	vst v0  }
0x1c: {  	[tilespmem:s7+$0x200] =	vst v0  }
0x1d: {  	[tilespmem:s7+$0x210] =	vst v0  }
.Ltmp0:
0x1e: {  	[tilespmem:s7+$0x220] =	vst v0;
	(pc) =	sbr.rel @p0 .LBB2_2-.Ltmp0, $4  }
0x1f: {  	[tilespmem:s7+$0x230] =	vst v0  }
0x20: {  	[tilespmem:s7+$0x240] =	vst v0  }
0x21: {  	[tilespmem:s7+$0x250] =	vst v0  }
0x22: {  	[tilespmem:s7+$0x260] =	vst v0;
	s7 =	sshra.s32 s8, $0x2;
	s8 =	sadd.s32 $0x200, s8  }
0x23: {  	[tilespmem:s7+$0x270] =	vst v0  }
0x24: {  	[tilespmem:s7+$0x200] =	vst v0  }
0x25: {  	[tilespmem:s7+$0x210] =	vst v0  }
0x26: {  	[tilespmem:s7+$0x220] =	vst v0  }
0x27: {  	[tilespmem:s7+$0x230] =	vst v0  }
0x28: {  	[tilespmem:s7+$0x240] =	vst v0  }
0x29: {  	[tilespmem:s7+$0x250] =	vst v0  }
0x2a: {  	[tilespmem:s7+$0x260] =	vst v0  }
0x2b: {  	[tilespmem:$0x8200] =	vst v1  }
0x2c: {  	[tilespmem:$0x8210] =	vst v1  }
0x2d: {  	[tilespmem:$0x8220] =	vst v1  }
0x2e: {  	[tilespmem:$0x8230] =	vst v1  }
0x2f: {  	[tilespmem:$0x8240] =	vst v1  }
0x30: {  	[tilespmem:$0x8250] =	vst v1  }
0x31: {  	[tilespmem:$0x8260] =	vst v1  }
0x32: {  	[tilespmem:$0x8270] =	vst v1  }
0x33: {  	[tilespmem:$0x8280] =	vst v0  }
0x34: {  	[tilespmem:$0x8290] =	vst v0  }
0x35: {  	[tilespmem:$0x82A0] =	vst v0  }
0x36: {  	[tilespmem:$0x82B0] =	vst v0  }
0x37: {  	[tilespmem:$0x82C0] =	vst v0  }
0x38: {  	[tilespmem:$0x82D0] =	vst v0  }
0x39: {  	[tilespmem:$0x82E0] =	vst v0  }
0x3a: {  	[tilespmem:$0x82F0] =	vst v0  }
0x3b: {  	[tilespmem:$0x8300] =	vst v0  }
0x3c: {  	[tilespmem:$0x8310] =	vst v0  }
0x3d: {  	[tilespmem:$0x8320] =	vst v0  }
0x3e: {  	[tilespmem:$0x8330] =	vst v0  }
0x3f: {  	[tilespmem:$0x8340] =	vst v0  }
0x40: {  	[tilespmem:$0x8350] =	vst v0  }
0x41: {  	[tilespmem:$0x8360] =	vst v0  }
0x42: {  	[tilespmem:$0x8370] =	vst v0  }
0x43: {  	[tilespmem:$0x8380] =	vst v0  }
0x44: {  	[tilespmem:$0x8390] =	vst v0  }
0x45: {  	[tilespmem:$0x83A0] =	vst v0  }
0x46: {  	[tilespmem:$0x83B0] =	vst v0  }
0x47: {  	[tilespmem:$0x83C0] =	vst v0  }
0x48: {  	[tilespmem:$0x83D0] =	vst v0  }
0x49: {  	[tilespmem:$0x83E0] =	vst v0  }
0x4a: {  	[tilespmem:$0x83F0] =	vst v0  }
0x4b: {  	[tilespmem:$0x8400] =	vst v0  }
0x4c: {  	[tilespmem:$0x8410] =	vst v0  }
0x4d: {  	[tilespmem:$0x8420] =	vst v0  }
0x4e: {  	[tilespmem:$0x8430] =	vst v0  }
0x4f: {  	[tilespmem:$0x8440] =	vst v0  }
0x50: {  	[tilespmem:$0x8450] =	vst v0  }
0x51: {  	[tilespmem:$0x8460] =	vst v0  }
0x52: {  	[tilespmem:$0x8470] =	vst v0  }
0x53: {  	[tilespmem:$0x8480] =	vst v0  }
0x54: {  	[tilespmem:$0x8490] =	vst v0  }
0x55: {  	[tilespmem:$0x84A0] =	vst v0  }
0x56: {  	[tilespmem:$0x84B0] =	vst v0  }
0x57: {  	[tilespmem:$0x84C0] =	vst v0  }
0x58: {  	[tilespmem:$0x84D0] =	vst v0  }
0x59: {  	[tilespmem:$0x84E0] =	vst v0  }
0x5a: {  	[tilespmem:$0x84F0] =	vst v0  }
0x5b: {  	[spmem:s6] =	stream.linear.scatter [tilespmem:s21], [sflag:$0x5], $0x4000, $0x38;
	[tilespmem:$0x1C780] =	vst v63  }
0x5c: {  	_ =	swait.ge [sflag:s22], $0x4000  }
0x5d: {  	[sflag:s22] =	ssyncset.done $0x0  }
0x5e: {  	s10 =	rddreg [dreg:$0x6];
	[sflag:s22] =	ssyncadd.s32 $0xFFFFC000  }
0x5f: {  	[spmem:s10] =	stream.linear.scatter [tilespmem:s21], [sflag:$0x5], $0x4000, $0x38;
	[tilespmem:$0x1C780] =	vst v63  }
0x60: {  	_ =	swait.ge [sflag:s22], $0x4000  }
0x61: {  	[sflag:s22] =	ssyncset.done $0x0  }
0x62: {  	s8 =	rddreg [dreg:$0x7];
	[sflag:s22] =	ssyncadd.s32 $0xFFFFC000  }
0x63: {  	[spmem:s8] =	stream.linear.scatter [tilespmem:s21], [sflag:$0x5], $0x4000, $0x38;
	[tilespmem:$0x1C780] =	vst v63  }
0x64: {  	_ =	swait.ge [sflag:s22], $0x4000  }
0x65: {  	[sflag:s22] =	ssyncset.done $0x0  }
0x66: {  	s9 =	rddreg [dreg:$0x8];
	[sflag:s22] =	ssyncadd.s32 $0xFFFFC000  }
0x67: {  	[spmem:s9] =	stream.linear.scatter [tilespmem:s21], [sflag:$0x5], $0x4000, $0x38;
	[tilespmem:$0x1C780] =	vst v63  }
0x68: {  	_ =	swait.ge [sflag:s22], $0x4000  }
0x69: {  	[sflag:s22] =	ssyncset.done $0x0  }
0x6a: {  	s10 =	rddreg [dreg:$0x9];
	[sflag:s22] =	ssyncadd.s32 $0xFFFFC000  }
0x6b: {  	[spmem:s10] =	stream.linear.scatter [tilespmem:s21], [sflag:$0x5], $0x4000, $0x38;
	[tilespmem:$0x1C780] =	vst v63  }
0x6c: {  	_ =	swait.ge [sflag:s22], $0x4000  }
0x6d: {  	[sflag:s22] =	ssyncset.done $0x0  }
0x6e: {  	s8 =	simm.s32 $0x8280;
	[sflag:s22] =	ssyncadd.s32 $0xFFFFC000  }
0x6f: {  	[spmem:s11] =	stream.linear.scatter [tilespmem:s8], [sflag:$0x5], $0x280, $0x38;
	[tilespmem:$0x1C780] =	vst v63  }
0x70: {  	_ =	swait.ge [sflag:s22], $0x280  }
0x71: {  	[sflag:s22] =	ssyncset.done $0x0  }
0x72: {  	[sflag:s22] =	ssyncadd.s32 $0xFFFFFD80  }
0x73: {  	s9 =	simm.s32 $0x0;
	[bflag:$0x0] =	sbarrier.arrive $0xFFFF  }
0x74: {  	[tilespmem:s9], [sflag:$0x1] =	stream.linear.gather [hbm4b:s12+s9], $0x80, $0x38;
	[tilespmem:$0x1C780] =	vst v63  }
0x75: {  	_ = 	snop  }
0x76: {  	[tilespmem:s24], [sflag:$0x1] =	stream.linear.gather [hbm4b:s13+s9], $0x80, $0x38;
	[tilespmem:$0x1C780] =	vst v63  }
0x77: {  	_ = 	snop  }
0x78: {  	[tilespmem:s25], [sflag:$0x2] =	stream.linear.gather [hbm4b:s14+s9], $0x80, $0x38;
	[tilespmem:$0x1C780] =	vst v63  }
0x79: {  	_ = 	snop  }
0x7a: {  	[tilespmem:s26], [sflag:$0x2] =	stream.linear.gather [hbm4b:s15+s9], $0x80, $0x38;
	[tilespmem:$0x1C780] =	vst v63  }
0x7b: {  	_ =	swait.ge [sflag:s28], $0x80  }
0x7c: {  	[sflag:s28] =	ssyncset.done $0x0  }
0x7d: {  	[sflag:s28] =	ssyncadd.s32 $0xFFFFFF80  }
0x7e: {  	_ =	swait.ge [sflag:s28], $0x80  }
0x7f: {  	[sflag:s28] =	ssyncset.done $0x0  }
0x80: {  	[sflag:s28] =	ssyncadd.s32 $0xFFFFFF80  }
0x81: {  	[tilespmem:s21], [sflag:$0x3] =	stream.indirect.gather [hbm4b:s1+s25], $0x80, s9, s25, $0xb8;
	[tilespmem:$0x1C780] =	vst v63  }
0x82: {  	_ =	swait.ge [sflag:s29], $0x80  }
0x83: {  	[sflag:s29] =	ssyncset.done $0x0  }
0x84: {  	[sflag:s29] =	ssyncadd.s32 $0xFFFFFF80  }
0x85: {  	_ =	swait.ge [sflag:s29], $0x80  }
0x86: {  	[sflag:s29] =	ssyncset.done $0x0  }
0x87: {  	[sflag:s29] =	ssyncadd.s32 $0xFFFFFF80  }
0x88: {  	[tilespmem:s30], [sflag:$0x4] =	stream.indirect.gather [hbm4b:s1+s25], $0x80, s25, s25, $0xb8;
	[tilespmem:$0x1C780] =	vst v63  }
0x89: {  	_ =	swait.ge [sflag:s31], $0x4000  }
0x8a: {  	[sflag:s31] =	ssyncset.done $0x0  }
0x8b: {  	[sflag:s31] =	ssyncadd.s32 $0xFFFFC000  }
0x8c: {  	[spmem:s2] =	stream.indirect.scatter.add.f32 [tilespmem:s21], [sflag:$0x5], $0x80, s24, s25, $0xb8;
	[tilespmem:$0x1C780] =	vst v63  }
0x8d: {  	_ =	swait.ge [sflag:s22], $0x4000  }
0x8e: {  	[sflag:s22] =	ssyncset.done $0x0  }
0x8f: {  	[sflag:s22] =	ssyncadd.s32 $0xFFFFC000  }
0x90: {  	[spmem:s3] =	stream.indirect.scatter.add.f32 [tilespmem:s0], [sflag:$0x5], $0x1, s24, s25, $0xb8;
	[tilespmem:$0x1C780] =	vst v63  }
0x91: {  	_ =	swait.ge [sflag:s22], $0x80  }
0x92: {  	s7 =	sadd.s32 $0x0, s19;
	[sflag:s22] =	ssyncset.done $0x0  }
0x93: {  	s8 =	sadd.s32 $0x400, s7;
	s9 =	sadd.s32 $0x0, s20;
	[sflag:s22] =	ssyncadd.s32 $0xFFFFFF80  }
0x94: {  	[tilespmem:s5], [sflag:$0x1] =	stream.linear.gather [hbm4b:s8+s5], $0x80, $0x38;
	[tilespmem:$0x1C780] =	vst v63  }
0x95: {  	s10 =	sadd.s32 $0x400, s9  }
0x96: {  	[tilespmem:s24], [sflag:$0x1] =	stream.linear.gather [hbm4b:s10+s5], $0x80, $0x38;
	[tilespmem:$0x1C780] =	vst v63  }
0x97: {  	_ =	swait.ge [sflag:s28], $0x80  }
0x98: {  	[sflag:s28] =	ssyncset.done $0x0  }
0x99: {  	[sflag:s28] =	ssyncadd.s32 $0xFFFFFF80  }
0x9a: {  	_ =	swait.ge [sflag:s28], $0x80  }
0x9b: {  	[sflag:s28] =	ssyncset.done $0x0  }
0x9c: {  	[sflag:s28] =	ssyncadd.s32 $0xFFFFFF80  }
0x9d: {  	[tilespmem:s21], [sflag:$0x3] =	stream.indirect.gather [hbm4b:s1+s25], $0x80, s5, s25, $0xb8;
	[tilespmem:$0x1C780] =	vst v63  }
0x9e: {  	_ =	swait.ge [sflag:s23], $0x4000  }
0x9f: {  	[sflag:s23] =	ssyncset.done $0x0  }
0xa0: {  	[sflag:s23] =	ssyncadd.s32 $0xFFFFC000  }
0xa1: {  	[spmem:s2] =	stream.indirect.scatter.add.f32 [tilespmem:s30], [sflag:$0x5], $0x80, s26, s25, $0xb8;
	[tilespmem:$0x1C780] =	vst v63  }
0xa2: {  	_ =	swait.ge [sflag:s22], $0x4000  }
0xa3: {  	[sflag:s22] =	ssyncset.done $0x0  }
0xa4: {  	[sflag:s22] =	ssyncadd.s32 $0xFFFFC000  }
0xa5: {  	[spmem:s3] =	stream.indirect.scatter.add.f32 [tilespmem:s0], [sflag:$0x5], $0x1, s26, s25, $0xb8;
	[tilespmem:$0x1C780] =	vst v63  }
0xa6: {  	_ =	swait.ge [sflag:s22], $0x80  }
0xa7: {  	[sflag:s22] =	ssyncset.done $0x0  }
0xa8: {  	s7 =	sadd.s32 $0x600, s7;
	[sflag:s22] =	ssyncadd.s32 $0xFFFFFF80  }
0xa9: {  	[tilespmem:s25], [sflag:$0x2] =	stream.linear.gather [hbm4b:s7+s5], $0x80, $0x38;
	[tilespmem:$0x1C780] =	vst v63  }
0xaa: {  	s8 =	sadd.s32 $0x600, s9;
	s7 =	simm.s32 $0x400  }
.LBB2_4:
0xab: {  	[tilespmem:s26], [sflag:$0x2] =	stream.linear.gather [hbm4b:s8+s5], $0x80, $0x38;
	[tilespmem:$0x1C780] =	vst v63  }
0xac: {  	s8 =	smov.u32 s7  }
0xad: {  	p0 =	sne.s32 s7, $0x9800;
	s7 =	sadd.s32 $0x400, s7;
	_ =	swait.ge [sflag:s29], $0x80  }
0xae: {  	[sflag:s29] =	ssyncset.done $0x0  }
0xaf: {  	[sflag:s29] =	ssyncadd.s32 $0xFFFFFF80  }
0xb0: {  	_ =	swait.ge [sflag:s29], $0x80  }
0xb1: {  	[sflag:s29] =	ssyncset.done $0x0  }
0xb2: {  	[sflag:s29] =	ssyncadd.s32 $0xFFFFFF80  }
0xb3: {  	[tilespmem:s30], [sflag:$0x4] =	stream.indirect.gather [hbm4b:s1+s25], $0x80, s25, s25, $0xb8;
	[tilespmem:$0x1C780] =	vst v63  }
0xb4: {  	_ =	swait.ge [sflag:s31], $0x4000  }
0xb5: {  	[sflag:s31] =	ssyncset.done $0x0  }
0xb6: {  	[sflag:s31] =	ssyncadd.s32 $0xFFFFC000  }
0xb7: {  	[spmem:s2] =	stream.indirect.scatter.add.f32 [tilespmem:s21], [sflag:$0x5], $0x80, s24, s25, $0xb8;
	[tilespmem:$0x1C780] =	vst v63  }
0xb8: {  	_ =	swait.ge [sflag:s22], $0x4000  }
0xb9: {  	[sflag:s22] =	ssyncset.done $0x0  }
0xba: {  	[sflag:s22] =	ssyncadd.s32 $0xFFFFC000  }
0xbb: {  	[spmem:s3] =	stream.indirect.scatter.add.f32 [tilespmem:s0], [sflag:$0x5], $0x1, s24, s25, $0xb8;
	[tilespmem:$0x1C780] =	vst v63  }
0xbc: {  	_ =	swait.ge [sflag:s22], $0x80  }
0xbd: {  	s9 =	sadd.s32 s8, s19;
	[sflag:s22] =	ssyncset.done $0x0  }
0xbe: {  	s8 =	sadd.s32 s8, s20;
	s10 =	sadd.s32 $0x400, s9;
	[sflag:s22] =	ssyncadd.s32 $0xFFFFFF80  }
0xbf: {  	[tilespmem:s5], [sflag:$0x1] =	stream.linear.gather [hbm4b:s10+s5], $0x80, $0x38;
	[tilespmem:$0x1C780] =	vst v63  }
0xc0: {  	s10 =	sadd.s32 $0x400, s8  }
0xc1: {  	[tilespmem:s24], [sflag:$0x1] =	stream.linear.gather [hbm4b:s10+s5], $0x80, $0x38;
	[tilespmem:$0x1C780] =	vst v63  }
0xc2: {  	_ =	swait.ge [sflag:s28], $0x80  }
0xc3: {  	[sflag:s28] =	ssyncset.done $0x0  }
0xc4: {  	[sflag:s28] =	ssyncadd.s32 $0xFFFFFF80  }
0xc5: {  	_ =	swait.ge [sflag:s28], $0x80  }
0xc6: {  	[sflag:s28] =	ssyncset.done $0x0  }
0xc7: {  	[sflag:s28] =	ssyncadd.s32 $0xFFFFFF80  }
0xc8: {  	[tilespmem:s21], [sflag:$0x3] =	stream.indirect.gather [hbm4b:s1+s25], $0x80, s5, s25, $0xb8;
	[tilespmem:$0x1C780] =	vst v63  }
0xc9: {  	_ =	swait.ge [sflag:s23], $0x4000  }
0xca: {  	[sflag:s23] =	ssyncset.done $0x0  }
0xcb: {  	[sflag:s23] =	ssyncadd.s32 $0xFFFFC000  }
0xcc: {  	[spmem:s2] =	stream.indirect.scatter.add.f32 [tilespmem:s30], [sflag:$0x5], $0x80, s26, s25, $0xb8;
	[tilespmem:$0x1C780] =	vst v63  }
0xcd: {  	_ =	swait.ge [sflag:s22], $0x4000  }
0xce: {  	[sflag:s22] =	ssyncset.done $0x0  }
0xcf: {  	[sflag:s22] =	ssyncadd.s32 $0xFFFFC000  }
0xd0: {  	[spmem:s3] =	stream.indirect.scatter.add.f32 [tilespmem:s0], [sflag:$0x5], $0x1, s26, s25, $0xb8;
	[tilespmem:$0x1C780] =	vst v63  }
.Ltmp1:
0xd1: {  	_ =	swait.ge [sflag:s22], $0x80;
	(pc) =	sbr.rel @p0 .LBB2_4-.Ltmp1, $4  }
0xd2: {  	[sflag:s22] =	ssyncset.done $0x0  }
0xd3: {  	s9 =	sadd.s32 $0x600, s9;
	[sflag:s22] =	ssyncadd.s32 $0xFFFFFF80  }
0xd4: {  	[tilespmem:s25], [sflag:$0x2] =	stream.linear.gather [hbm4b:s9+s5], $0x80, $0x38;
	[tilespmem:$0x1C780] =	vst v63  }
0xd5: {  	s8 =	sadd.s32 $0x600, s8  }
0xd6: {  	[tilespmem:s26], [sflag:$0x2] =	stream.linear.gather [hbm4b:s8+s5], $0x80, $0x38;
	[tilespmem:$0x1C780] =	vst v63  }
0xd7: {  	_ =	swait.ge [sflag:s29], $0x80  }
0xd8: {  	[sflag:s29] =	ssyncset.done $0x0  }
0xd9: {  	[sflag:s29] =	ssyncadd.s32 $0xFFFFFF80  }
0xda: {  	_ =	swait.ge [sflag:s29], $0x80  }
0xdb: {  	[sflag:s29] =	ssyncset.done $0x0  }
0xdc: {  	[sflag:s29] =	ssyncadd.s32 $0xFFFFFF80  }
0xdd: {  	[tilespmem:s30], [sflag:$0x4] =	stream.indirect.gather [hbm4b:s1+s25], $0x80, s25, s25, $0xb8;
	[tilespmem:$0x1C780] =	vst v63  }
0xde: {  	_ =	swait.ge [sflag:s31], $0x4000  }
0xdf: {  	[sflag:s31] =	ssyncset.done $0x0  }
0xe0: {  	[sflag:s31] =	ssyncadd.s32 $0xFFFFC000  }
0xe1: {  	[spmem:s2] =	stream.indirect.scatter.add.f32 [tilespmem:s21], [sflag:$0x5], $0x80, s24, s25, $0xb8;
	[tilespmem:$0x1C780] =	vst v63  }
0xe2: {  	_ =	swait.ge [sflag:s22], $0x4000  }
0xe3: {  	[sflag:s22] =	ssyncset.done $0x0  }
0xe4: {  	[sflag:s22] =	ssyncadd.s32 $0xFFFFC000  }
0xe5: {  	[spmem:s3] =	stream.indirect.scatter.add.f32 [tilespmem:s0], [sflag:$0x5], $0x1, s24, s25, $0xb8;
	[tilespmem:$0x1C780] =	vst v63  }
0xe6: {  	_ =	swait.ge [sflag:s22], $0x80  }
0xe7: {  	[sflag:s22] =	ssyncset.done $0x0  }
0xe8: {  	[sflag:s22] =	ssyncadd.s32 $0xFFFFFF80  }
0xe9: {  	_ =	swait.ge [sflag:s23], $0x4000  }
0xea: {  	[sflag:s23] =	ssyncset.done $0x0  }
0xeb: {  	[sflag:s23] =	ssyncadd.s32 $0xFFFFC000  }
0xec: {  	[spmem:s2] =	stream.indirect.scatter.add.f32 [tilespmem:s30], [sflag:$0x5], $0x80, s26, s25, $0xb8;
	[tilespmem:$0x1C780] =	vst v63  }
0xed: {  	_ =	swait.ge [sflag:s22], $0x4000  }
0xee: {  	[sflag:s22] =	ssyncset.done $0x0  }
0xef: {  	[sflag:s22] =	ssyncadd.s32 $0xFFFFC000  }
0xf0: {  	[spmem:s3] =	stream.indirect.scatter.add.f32 [tilespmem:s0], [sflag:$0x5], $0x1, s26, s25, $0xb8;
	[tilespmem:$0x1C780] =	vst v63  }
0xf1: {  	_ =	swait.ge [sflag:s22], $0x80  }
0xf2: {  	s7 =	stileid.u32;
	[sflag:s22] =	ssyncset.done $0x0  }
0xf3: {  	s7 =	sshll.u32 s7, $0x6;
	[sflag:s22] =	ssyncadd.s32 $0xFFFFFF80  }
0xf4: {  	s10 =	sshrl.u32 s6, $0x3;
	s7 =	sor.u32 $0x1C05, s7;
	[bflag:$0x0] =	sbarrier.arrive $0xFFFF  }
0xf5: {  	[hbm:s16], [sflag:s7] =	dma.local [spmem:s10], $0x2800  }
0xf6: {  	s8 =	sshrl.u32 s11, $0x3;
	s4 =	sadd.s32 $0x1, s4;
	_ =	swait.ge [sflag:s22], $0x2800  }
0xf7: {  	s9 =	simm.s32 $0x20;
	p0 =	sne.s32 s4, s18;
	[sflag:s22] =	ssyncset.done $0x0  }
.Ltmp2:
0xf8: {  	s10 =	simm.s32 $0x10;
	[sflag:s22] =	ssyncadd.s32 $0xFFFFD800;
	(pc) =	sbr.rel @p0 .LBB2_1-.Ltmp2, $4  }
0xf9: {  	[hbm:s17@s9], [sflag:s7] =	dma.strided [spmem:s8@s10], $0x50, s28, $0x10   }
0xfa: {  	_ =	swait.ge [sflag:s22], $0x50  }
0xfb: {  	[sflag:s22] =	ssyncset.done $0x0  }
0xfc: {  	[sflag:s22] =	ssyncadd.s32 $0xFFFFFFB0  }
0xfd: {  	_ =	sfence.sel $0x180000  }
0xfe: {  	[bflag:$0x0] =	sbarrier.arrive $0xFFFF  }
0xff: {  	_ =	strace $0x90000047  }
0x100: {  	s0 =	stileid.u32;
	[bflag:$0x2] =	sbarrier.arrive $0xFFFF  }
0x101: {  	p0 =	sne.s32 s0, $0x0;
	s0 =	rddreg [dreg:$0x5]  }
0x102: {  	s0 =	sadd.s32 @!p0 $0x100000, s0  }
0x103: {  	[sflag:s0] =	ssyncadd.tile.s32 @!p0 $0x1;
	_ =	shalt  }
.Lfunc_end2:
_tile_overlayer_lowered:
.L_overlay_start_2:
0x104: {  	(tag) =	ssettag $0x2  }
0x105: {  	s0 =	rddreg [dreg:$0x0];
	s2 =	stileid.u32  }
0x106: {  	s1 =	rddreg [dreg:$0x1];
	p0 =	sne.s32 s2, $0x0  }
0x107: {  	s3 =	rddreg [dreg:$0x2];
	[bflag:$0x3] =	sbarrier.arrive $0xFFFF;
	s2 =	simm.s32 @!p0 $0x1C05  }
0x108: {  	[timem:s3], [sflag:s2] =	dma.local @!p0 [hbm:s0], s1  }
0x109: {  	s0 =	simm.s32 @!p0 $0x5  }
0x10a: {  	_ =	swait.ge @!p0 [sflag:s0], s1  }
0x10b: {  	s1 =	ssub.s32 @!p0 $0x0, s1;
	[sflag:s0] =	ssyncset.done @!p0 $0x0  }
0x10c: {  	[sflag:s0] =	ssyncadd.s32 @!p0 s1  }
0x10d: {  	[bflag:$0x3] =	sbarrier.arrive $0xFFFF  }
0x10e: {  	_ =	shalt  }

</sc_bundles>
